<compile_context>
chip_gen: v7x
topology: tpu7x:2x2x1
jax: 0.10.2.dev20260603
libtpu: 0.0.44.dev20260713+nightly
codegen_flags: <defaults>
</compile_context>

<pallas_src>
import functools

import jax
import jax.numpy as jnp
from jax import lax
from jax.experimental import pallas as pl
from jax.experimental.pallas import tpu as pltpu
from jax.experimental.pallas import tpu_sc as plsc

N_CORES = 2
N_SUBCORES = 16
NW = N_CORES * N_SUBCORES
B = 4096
L = 200
E = 128
H = 256
BPW = B // NW
NPAIR = BPW // 2
C1 = 104
C2 = L - C1

_mesh = plsc.VectorSubcoreMesh(core_axis_name="c", subcore_axis_name="s")


@functools.partial(
    pl.kernel,
    mesh=_mesh,
    out_type=jax.ShapeDtypeStruct((3 * B * E,), jnp.float32),
    scratch_types=[
        pltpu.VMEM((BPW * L,), jnp.int32),
        pltpu.VMEM((L, E), jnp.float32),
        pltpu.VMEM((L, E), jnp.float32),
        pltpu.VMEM((BPW * E,), jnp.float32),
        pltpu.SemaphoreType.DMA,
        pltpu.SemaphoreType.DMA,
    ],
)
def _pool(x_hbm, w_hbm, g2_hbm, g3_hbm, out_hbm,
          idx_v, rows0_v, rows1_v, outb_v, sem0, sem1):
    cid = lax.axis_index("c")
    sid = lax.axis_index("s")
    wid = sid * N_CORES + cid
    base = wid * BPW

    def issue(tbl, i, rows_v, sem):
        pltpu.make_async_copy(tbl.at[idx_v.at[pl.ds(i * L, C1)]],
                              rows_v.at[pl.ds(0, C1)], sem).start()
        pltpu.make_async_copy(tbl.at[idx_v.at[pl.ds(i * L + C1, C2)]],
                              rows_v.at[pl.ds(C1, C2)], sem).start()

    def wait(tbl, rows_v, sem):
        pltpu.make_async_copy(tbl.at[idx_v.at[pl.ds(0, C1)]],
                              rows_v.at[pl.ds(0, C1)], sem).wait()
        pltpu.make_async_copy(tbl.at[idx_v.at[pl.ds(0, C2)]],
                              rows_v.at[pl.ds(C1, C2)], sem).wait()

    def acc(rows_v, i):
        def row_body(r, accs):
            return tuple(a + rows_v[r, pl.ds(16 * j, 16)]
                         for j, a in enumerate(accs))

        zeros = tuple(jnp.zeros((16,), jnp.float32) for _ in range(8))
        accs = lax.fori_loop(0, L, row_body, zeros)
        for j, a in enumerate(accs):
            outb_v[pl.ds(i * E + 16 * j, 16)] = a

    for t, tbl, sect in ((0, w_hbm, 0), (1, g2_hbm, 2), (2, g3_hbm, 3)):
        pltpu.sync_copy(x_hbm.at[pl.ds(sect * B * L + base * L, BPW * L)],
                        idx_v)
        issue(tbl, 0, rows0_v, sem0)

        def pair_body(p, carry, tbl=tbl):
            e = 2 * p
            o = 2 * p + 1
            nxt = jnp.where(e + 2 >= BPW, 0, e + 2)
            issue(tbl, o, rows1_v, sem1)
            wait(tbl, rows0_v, sem0)
            acc(rows0_v, e)
            issue(tbl, nxt, rows0_v, sem0)
            wait(tbl, rows1_v, sem1)
            acc(rows1_v, o)
            return carry

        lax.fori_loop(0, NPAIR, pair_body, 0)
        wait(tbl, rows0_v, sem0)
        pltpu.sync_copy(outb_v,
                        out_hbm.at[pl.ds((t * B + base) * E, BPW * E)])


def _mlp_body(p_ref, w1_ref, b1_ref, w2_ref, b2_ref, o_ref):
    s = jnp.float32(1.0 / L)
    h = (jnp.dot(p_ref[0] * s, w1_ref[0:E], preferred_element_type=jnp.float32)
         + jnp.dot(p_ref[1] * s, w1_ref[E:2 * E],
                   preferred_element_type=jnp.float32)
         + jnp.dot(p_ref[2] * s, w1_ref[2 * E:3 * E],
                   preferred_element_type=jnp.float32)
         + b1_ref[...])
    h = jnp.maximum(h, 0.0)
    o_ref[...] = (jnp.dot(h, w2_ref[...], preferred_element_type=jnp.float32)
                  + b2_ref[...])


_BLK = 512


def _mlp(pooled, W1, b1r, W2p, b2r):
    return pl.pallas_call(
        _mlp_body,
        grid=(B // _BLK,),
        in_specs=[
            pl.BlockSpec((3, _BLK, E), lambda i: (0, i, 0)),
            pl.BlockSpec((3 * E, H), lambda i: (0, 0)),
            pl.BlockSpec((1, H), lambda i: (0, 0)),
            pl.BlockSpec((H, 128), lambda i: (0, 0)),
            pl.BlockSpec((1, 128), lambda i: (0, 0)),
        ],
        out_specs=pl.BlockSpec((_BLK, 128), lambda i: (i, 0)),
        out_shape=jax.ShapeDtypeStruct((B, 128), jnp.float32),
    )(pooled, W1, b1r, W2p, b2r)


def kernel(x, word_emb, ng2_emb, ng3_emb, W1, b1, W2, b2):
    pooled = _pool(x.reshape(-1), word_emb, ng2_emb, ng3_emb).reshape(3, B, E)
    W2p = jnp.pad(W2, ((0, 0), (0, 128 - W2.shape[1])))
    b2r = jnp.pad(b2, (0, 128 - b2.shape[0])).reshape(1, 128)
    out = _mlp(pooled, W1, b1.reshape(1, H), W2p, b2r)
    return out[:, :10]

# --- scband reference (transcript-rebuilt; emitter-appended) ---
"""Pipeline reference for scband-fast-text-14697378086981 (READ-ONLY COPY).

The authoritative reference and input builder live on the scoring server;
editing this copy changes nothing except your own understanding.
"""

import jax, jax.numpy as jnp
import numpy as np

N_VOCAB = 100000
N_GRAM_VOCAB = 100000
EMBED = 128
HIDDEN = 256
NUM_CLASSES = 10
BATCH = 4096
SEQ = 200


def setup_inputs(seed: int = 0) -> dict:
    key = jax.random.key(seed)
    ks = jax.random.split(key, 8)
    # x packs (word_ids, unused, bigram_ids, trigram_ids) as a single int tensor [4, B, L]
    x = jax.random.randint(ks[0], (4, BATCH, SEQ), 0, N_VOCAB, dtype=jnp.int32)
    word_emb = jax.random.normal(ks[1], (N_VOCAB, EMBED), dtype=jnp.float32) * 0.02
    ng2_emb = jax.random.normal(ks[2], (N_GRAM_VOCAB, EMBED), dtype=jnp.float32) * 0.02
    ng3_emb = jax.random.normal(ks[3], (N_GRAM_VOCAB, EMBED), dtype=jnp.float32) * 0.02
    W1 = jax.random.normal(ks[4], (EMBED * 3, HIDDEN), dtype=jnp.float32) * 0.02
    b1 = jnp.zeros((HIDDEN,), dtype=jnp.float32)
    W2 = jax.random.normal(ks[5], (HIDDEN, NUM_CLASSES), dtype=jnp.float32) * 0.02
    b2 = jnp.zeros((NUM_CLASSES,), dtype=jnp.float32)
    return {"x": x, "word_emb": word_emb, "ng2_emb": ng2_emb, "ng3_emb": ng3_emb,
            "W1": W1, "b1": b1, "W2": W2, "b2": b2}


def reference(x, word_emb, ng2_emb, ng3_emb, W1, b1, W2, b2):
    # three embedding lookups (word / 2-gram / 3-gram)
    out_word = jnp.take(word_emb, x[0], axis=0)      # [B, L, E]
    out_bigram = jnp.take(ng2_emb, x[2], axis=0)     # [B, L, E]
    out_trigram = jnp.take(ng3_emb, x[3], axis=0)    # [B, L, E]
    out = jnp.concatenate([out_word, out_bigram, out_trigram], axis=-1)  # [B, L, 3E]
    out = out.mean(axis=1)                            # [B, 3E]
    # dropout is identity at inference
    out = out @ W1 + b1
    out = jax.nn.relu(out)
    out = out @ W2 + b2
    return out

if __name__ == "__main__":
    import jax
    _d = setup_inputs()
    print(jax.jit(kernel)(*tuple(_d.values())))

</pallas_src>

<mosaic_0001>
#map = affine_map<(d0, d1) -> (0)>
#map1 = affine_map<(d0, d1) -> (0, 0)>
module attributes {stable_mosaic.version = 14 : i64} {
  func.func @_pool(%arg0: i32, %arg1: i32, %arg2: memref<3276800xi32, #tpu.memory_space<hbm>>, %arg3: memref<100000x128xf32, #tpu.memory_space<hbm>>, %arg4: memref<100000x128xf32, #tpu.memory_space<hbm>>, %arg5: memref<100000x128xf32, #tpu.memory_space<hbm>>, %arg6: memref<1572864xf32, #tpu.memory_space<hbm>>, %arg7: memref<25600xi32, #tpu.memory_space<vmem>>, %arg8: memref<200x128xf32, #tpu.memory_space<vmem>>, %arg9: memref<200x128xf32, #tpu.memory_space<vmem>>, %arg10: memref<16384xf32, #tpu.memory_space<vmem>>, %arg11: memref<!tpu.dma_semaphore, #tpu.memory_space<semaphore_mem>>, %arg12: memref<!tpu.dma_semaphore, #tpu.memory_space<semaphore_mem>>) attributes {dimension_semantics = [#tpu.dimension_semantics<core_parallel>, #tpu.dimension_semantics<subcore_parallel>], iteration_bounds = array<i64: 2, 16>, scalar_prefetch = 0 : i64, scratch_operands = 6 : i64, tpu.core_type = #tpu.core_type<sc_vector_subcore>, window_params = [{transform_indices = #map}, {transform_indices = #map1}, {transform_indices = #map1}, {transform_indices = #map1}, {transform_indices = #map}]} {
    %mul3A = arith.constant 2 : i32
    %mul3A_0 = arith.muli %arg1, %mul3A : i32
    %add3A = arith.addi %mul3A_0, %arg0 : i32
    %mul3A_1 = arith.constant 128 : i32
    %mul3A_2 = arith.muli %add3A, %mul3A_1 : i32
    %mul3A_3 = arith.constant 200 : i32
    %mul3A_4 = arith.muli %mul3A_2, %mul3A_3 : i32
    %add3A_5 = arith.constant 0 : i32
    %add3A_6 = arith.addi %add3A_5, %mul3A_4 : i32
    "tpu.region"() ({
      %run_scoped3A = tpu.sem_alloc : memref<!tpu.dma_semaphore, #tpu.memory_space<semaphore_mem>>
      %dma_start3A_138 = tpu.memref_slice %arg2[%add3A_6] : memref<3276800xi32, #tpu.memory_space<hbm>> -> memref<25600xi32, #tpu.memory_space<hbm>>
      %dma_start3A_139 = tpu.memref_slice %arg2[%add3A_6] : memref<3276800xi32, #tpu.memory_space<hbm>> -> memref<25600xi32, #tpu.memory_space<hbm>>
      tpu.enqueue_dma source(%dma_start3A_139 : memref<25600xi32, #tpu.memory_space<hbm>>) target(%arg7 : memref<25600xi32, #tpu.memory_space<vmem>>) target_semaphore(%run_scoped3A : memref<!tpu.dma_semaphore, #tpu.memory_space<semaphore_mem>>)
      %dma_wait3A_140 = tpu.memref_slice %arg2[%add3A_6] : memref<3276800xi32, #tpu.memory_space<hbm>> -> memref<25600xi32, #tpu.memory_space<hbm>>
      %dma_wait3A_141 = tpu.memref_slice %arg2[%add3A_6] : memref<3276800xi32, #tpu.memory_space<hbm>> -> memref<25600xi32, #tpu.memory_space<hbm>>
      tpu.wait_dma2 semaphore(%run_scoped3A : memref<!tpu.dma_semaphore, #tpu.memory_space<semaphore_mem>>) src(%dma_wait3A_141 : memref<25600xi32, #tpu.memory_space<hbm>>) dst(%arg7 : memref<25600xi32, #tpu.memory_space<vmem>>)
      tpu.yield
    }) : () -> ()
    %dma_start3A = arith.constant 0 : i32
    %dma_start3A_7 = arith.constant 0 : i32
    %dma_start3A_8 = tpu.memref_slice %arg8[%dma_start3A, %dma_start3A_7] : memref<200x128xf32, #tpu.memory_space<vmem>> -> memref<104x128xf32, #tpu.memory_space<vmem>>
    %dma_start3A_9 = arith.constant 0 : i32
    %dma_start3A_10 = tpu.memref_slice %arg7[%dma_start3A_9] : memref<25600xi32, #tpu.memory_space<vmem>> -> memref<104xi32, #tpu.memory_space<vmem>>
    %dma_start3A_11 = arith.constant 0 : i32
    %dma_start3A_12 = arith.constant 0 : i32
    %dma_start3A_13 = tpu.memref_slice %arg3[%dma_start3A_11, %dma_start3A_12] : memref<100000x128xf32, #tpu.memory_space<hbm>> -> memref<100000x128xf32, #tpu.memory_space<hbm>>
    tpu.enqueue_indirect_dma source(%dma_start3A_13 : memref<100000x128xf32, #tpu.memory_space<hbm>>) target(%dma_start3A_8 : memref<104x128xf32, #tpu.memory_space<vmem>>) offsets(%dma_start3A_10 : memref<104xi32, #tpu.memory_space<vmem>>) semaphore(%arg11 : memref<!tpu.dma_semaphore, #tpu.memory_space<semaphore_mem>>)
    %dma_start3A_14 = arith.constant 104 : i32
    %dma_start3A_15 = arith.constant 0 : i32
    %dma_start3A_16 = tpu.memref_slice %arg8[%dma_start3A_14, %dma_start3A_15] : memref<200x128xf32, #tpu.memory_space<vmem>> -> memref<96x128xf32, #tpu.memory_space<vmem>>
    %dma_start3A_17 = arith.constant 104 : i32
    %dma_start3A_18 = tpu.memref_slice %arg7[%dma_start3A_17] : memref<25600xi32, #tpu.memory_space<vmem>> -> memref<96xi32, #tpu.memory_space<vmem>>
    %dma_start3A_19 = arith.constant 0 : i32
    %dma_start3A_20 = arith.constant 0 : i32
    %dma_start3A_21 = tpu.memref_slice %arg3[%dma_start3A_19, %dma_start3A_20] : memref<100000x128xf32, #tpu.memory_space<hbm>> -> memref<100000x128xf32, #tpu.memory_space<hbm>>
    tpu.enqueue_indirect_dma source(%dma_start3A_21 : memref<100000x128xf32, #tpu.memory_space<hbm>>) target(%dma_start3A_16 : memref<96x128xf32, #tpu.memory_space<vmem>>) offsets(%dma_start3A_18 : memref<96xi32, #tpu.memory_space<vmem>>) semaphore(%arg11 : memref<!tpu.dma_semaphore, #tpu.memory_space<semaphore_mem>>)
    %scan3A = arith.constant 0 : i32
    %scan3A_22 = arith.constant 0 : i32
    %scan3A_23 = arith.constant 64 : i32
    %scan3A_24 = arith.addi %scan3A_22, %scan3A_23 : i32
    %scan3A_25 = arith.constant 1 : i32
    scf.for %scan3A_138 = %scan3A_22 to %scan3A_24 step %scan3A_25  : i32 {
      %mul3A_139 = arith.constant 2 : i32
      %mul3A_140 = arith.muli %mul3A_139, %scan3A_138 : i32
      %mul3A_141 = arith.constant 2 : i32
      %mul3A_142 = arith.muli %mul3A_141, %scan3A_138 : i32
      %add3A_143 = arith.constant 1 : i32
      %add3A_144 = arith.addi %mul3A_142, %add3A_143 : i32
      %add3A_145 = arith.constant 2 : i32
      %add3A_146 = arith.addi %mul3A_140, %add3A_145 : i32
      %ge3A = arith.constant 128 : i32
      %ge3A_147 = arith.cmpi sge, %add3A_146, %ge3A : i32
      %add3A_148 = arith.constant 2 : i32
      %add3A_149 = arith.addi %mul3A_140, %add3A_148 : i32
      %jit3A = arith.constant 0 : i32
      %select_n3A = arith.select %ge3A_147, %jit3A, %add3A_149 : i32
      %mul3A_150 = arith.constant 200 : i32
      %mul3A_151 = arith.muli %add3A_144, %mul3A_150 : i32
      %dma_start3A_152 = arith.constant 0 : i32
      %dma_start3A_153 = arith.constant 0 : i32
      %dma_start3A_154 = tpu.memref_slice %arg9[%dma_start3A_152, %dma_start3A_153] : memref<200x128xf32, #tpu.memory_space<vmem>> -> memref<104x128xf32, #tpu.memory_space<vmem>>
      %dma_start3A_155 = tpu.memref_slice %arg7[%mul3A_151] : memref<25600xi32, #tpu.memory_space<vmem>> -> memref<104xi32, #tpu.memory_space<vmem>>
      %dma_start3A_156 = arith.constant 0 : i32
      %dma_start3A_157 = arith.constant 0 : i32
      %dma_start3A_158 = tpu.memref_slice %arg3[%dma_start3A_156, %dma_start3A_157] : memref<100000x128xf32, #tpu.memory_space<hbm>> -> memref<100000x128xf32, #tpu.memory_space<hbm>>
      tpu.enqueue_indirect_dma source(%dma_start3A_158 : memref<100000x128xf32, #tpu.memory_space<hbm>>) target(%dma_start3A_154 : memref<104x128xf32, #tpu.memory_space<vmem>>) offsets(%dma_start3A_155 : memref<104xi32, #tpu.memory_space<vmem>>) semaphore(%arg12 : memref<!tpu.dma_semaphore, #tpu.memory_space<semaphore_mem>>)
      %mul3A_159 = arith.constant 200 : i32
      %mul3A_160 = arith.muli %add3A_144, %mul3A_159 : i32
      %add3A_161 = arith.constant 104 : i32
      %add3A_162 = arith.addi %mul3A_160, %add3A_161 : i32
      %dma_start3A_163 = arith.constant 104 : i32
      %dma_start3A_164 = arith.constant 0 : i32
      %dma_start3A_165 = tpu.memref_slice %arg9[%dma_start3A_163, %dma_start3A_164] : memref<200x128xf32, #tpu.memory_space<vmem>> -> memref<96x128xf32, #tpu.memory_space<vmem>>
      %dma_start3A_166 = tpu.memref_slice %arg7[%add3A_162] : memref<25600xi32, #tpu.memory_space<vmem>> -> memref<96xi32, #tpu.memory_space<vmem>>
      %dma_start3A_167 = arith.constant 0 : i32
      %dma_start3A_168 = arith.constant 0 : i32
      %dma_start3A_169 = tpu.memref_slice %arg3[%dma_start3A_167, %dma_start3A_168] : memref<100000x128xf32, #tpu.memory_space<hbm>> -> memref<100000x128xf32, #tpu.memory_space<hbm>>
      tpu.enqueue_indirect_dma source(%dma_start3A_169 : memref<100000x128xf32, #tpu.memory_space<hbm>>) target(%dma_start3A_165 : memref<96x128xf32, #tpu.memory_space<vmem>>) offsets(%dma_start3A_166 : memref<96xi32, #tpu.memory_space<vmem>>) semaphore(%arg12 : memref<!tpu.dma_semaphore, #tpu.memory_space<semaphore_mem>>)
      %dma_wait3A_170 = arith.constant 0 : i32
      %dma_wait3A_171 = arith.constant 0 : i32
      %dma_wait3A_172 = tpu.memref_slice %arg8[%dma_wait3A_170, %dma_wait3A_171] : memref<200x128xf32, #tpu.memory_space<vmem>> -> memref<104x128xf32, #tpu.memory_space<vmem>>
      %dma_wait3A_173 = arith.constant 0 : i32
      %dma_wait3A_174 = tpu.memref_slice %arg7[%dma_wait3A_173] : memref<25600xi32, #tpu.memory_space<vmem>> -> memref<104xi32, #tpu.memory_space<vmem>>
      %dma_wait3A_175 = arith.constant 0 : i32
      %dma_wait3A_176 = arith.constant 0 : i32
      %dma_wait3A_177 = tpu.memref_slice %arg3[%dma_wait3A_175, %dma_wait3A_176] : memref<100000x128xf32, #tpu.memory_space<hbm>> -> memref<100000x128xf32, #tpu.memory_space<hbm>>
      tpu.wait_indirect_dma semaphore(%arg11 : memref<!tpu.dma_semaphore, #tpu.memory_space<semaphore_mem>>) src(%dma_wait3A_177 : memref<100000x128xf32, #tpu.memory_space<hbm>>) dst(%dma_wait3A_172 : memref<104x128xf32, #tpu.memory_space<vmem>>)
      %dma_wait3A_178 = arith.constant 104 : i32
      %dma_wait3A_179 = arith.constant 0 : i32
      %dma_wait3A_180 = tpu.memref_slice %arg8[%dma_wait3A_178, %dma_wait3A_179] : memref<200x128xf32, #tpu.memory_space<vmem>> -> memref<96x128xf32, #tpu.memory_space<vmem>>
      %dma_wait3A_181 = arith.constant 0 : i32
      %dma_wait3A_182 = tpu.memref_slice %arg7[%dma_wait3A_181] : memref<25600xi32, #tpu.memory_space<vmem>> -> memref<96xi32, #tpu.memory_space<vmem>>
      %dma_wait3A_183 = arith.constant 0 : i32
      %dma_wait3A_184 = arith.constant 0 : i32
      %dma_wait3A_185 = tpu.memref_slice %arg3[%dma_wait3A_183, %dma_wait3A_184] : memref<100000x128xf32, #tpu.memory_space<hbm>> -> memref<100000x128xf32, #tpu.memory_space<hbm>>
      tpu.wait_indirect_dma semaphore(%arg11 : memref<!tpu.dma_semaphore, #tpu.memory_space<semaphore_mem>>) src(%dma_wait3A_185 : memref<100000x128xf32, #tpu.memory_space<hbm>>) dst(%dma_wait3A_180 : memref<96x128xf32, #tpu.memory_space<vmem>>)
      %broadcast_in_dim3A = arith.constant 0.000000e+00 : f32
      %broadcast_in_dim3A_186 = vector.broadcast %broadcast_in_dim3A : f32 to vector<16xf32>
      %broadcast_in_dim3A_187 = arith.constant 0.000000e+00 : f32
      %broadcast_in_dim3A_188 = vector.broadcast %broadcast_in_dim3A_187 : f32 to vector<16xf32>
      %broadcast_in_dim3A_189 = arith.constant 0.000000e+00 : f32
      %broadcast_in_dim3A_190 = vector.broadcast %broadcast_in_dim3A_189 : f32 to vector<16xf32>
      %broadcast_in_dim3A_191 = arith.constant 0.000000e+00 : f32
      %broadcast_in_dim3A_192 = vector.broadcast %broadcast_in_dim3A_191 : f32 to vector<16xf32>
      %broadcast_in_dim3A_193 = arith.constant 0.000000e+00 : f32
      %broadcast_in_dim3A_194 = vector.broadcast %broadcast_in_dim3A_193 : f32 to vector<16xf32>
      %broadcast_in_dim3A_195 = arith.constant 0.000000e+00 : f32
      %broadcast_in_dim3A_196 = vector.broadcast %broadcast_in_dim3A_195 : f32 to vector<16xf32>
      %broadcast_in_dim3A_197 = arith.constant 0.000000e+00 : f32
      %broadcast_in_dim3A_198 = vector.broadcast %broadcast_in_dim3A_197 : f32 to vector<16xf32>
      %broadcast_in_dim3A_199 = arith.constant 0.000000e+00 : f32
      %broadcast_in_dim3A_200 = vector.broadcast %broadcast_in_dim3A_199 : f32 to vector<16xf32>
      %scan3A_201 = arith.constant 0 : i32
      %scan3A_202 = arith.constant 200 : i32
      %scan3A_203 = arith.addi %scan3A_201, %scan3A_202 : i32
      %scan3A_204 = arith.constant 1 : i32
      %scan3A_205:8 = scf.for %scan3A_392 = %scan3A_201 to %scan3A_203 step %scan3A_204 iter_args(%scan3A_393 = %broadcast_in_dim3A_186, %scan3A_394 = %broadcast_in_dim3A_188, %scan3A_395 = %broadcast_in_dim3A_190, %scan3A_396 = %broadcast_in_dim3A_192, %scan3A_397 = %broadcast_in_dim3A_194, %scan3A_398 = %broadcast_in_dim3A_196, %scan3A_399 = %broadcast_in_dim3A_198, %scan3A_400 = %broadcast_in_dim3A_200) -> (vector<16xf32>, vector<16xf32>, vector<16xf32>, vector<16xf32>, vector<16xf32>, vector<16xf32>, vector<16xf32>, vector<16xf32>)  : i32 {
        %get3A = arith.index_cast %scan3A_392 : i32 to index
        %get3A_401 = arith.constant 0 : index
        %get3A_402 = tpu.vector_load %arg8[%get3A, %get3A_401] {strides = array<i32>} : memref<200x128xf32, #tpu.memory_space<vmem>>, vector<1x16xf32>,
        %get3A_403 = vector.shape_cast %get3A_402 : vector<1x16xf32> to vector<16xf32>
        %add3A_404 = arith.addf %scan3A_393, %get3A_403 : vector<16xf32>
        %get3A_405 = arith.index_cast %scan3A_392 : i32 to index
        %get3A_406 = arith.constant 16 : index
        %get3A_407 = tpu.vector_load %arg8[%get3A_405, %get3A_406] {strides = array<i32>} : memref<200x128xf32, #tpu.memory_space<vmem>>, vector<1x16xf32>,
        %get3A_408 = vector.shape_cast %get3A_407 : vector<1x16xf32> to vector<16xf32>
        %add3A_409 = arith.addf %scan3A_394, %get3A_408 : vector<16xf32>
        %get3A_410 = arith.index_cast %scan3A_392 : i32 to index
        %get3A_411 = arith.constant 32 : index
        %get3A_412 = tpu.vector_load %arg8[%get3A_410, %get3A_411] {strides = array<i32>} : memref<200x128xf32, #tpu.memory_space<vmem>>, vector<1x16xf32>,
        %get3A_413 = vector.shape_cast %get3A_412 : vector<1x16xf32> to vector<16xf32>
        %add3A_414 = arith.addf %scan3A_395, %get3A_413 : vector<16xf32>
        %get3A_415 = arith.index_cast %scan3A_392 : i32 to index
        %get3A_416 = arith.constant 48 : index
        %get3A_417 = tpu.vector_load %arg8[%get3A_415, %get3A_416] {strides = array<i32>} : memref<200x128xf32, #tpu.memory_space<vmem>>, vector<1x16xf32>,
        %get3A_418 = vector.shape_cast %get3A_417 : vector<1x16xf32> to vector<16xf32>
        %add3A_419 = arith.addf %scan3A_396, %get3A_418 : vector<16xf32>
        %get3A_420 = arith.index_cast %scan3A_392 : i32 to index
        %get3A_421 = arith.constant 64 : index
        %get3A_422 = tpu.vector_load %arg8[%get3A_420, %get3A_421] {strides = array<i32>} : memref<200x128xf32, #tpu.memory_space<vmem>>, vector<1x16xf32>,
        %get3A_423 = vector.shape_cast %get3A_422 : vector<1x16xf32> to vector<16xf32>
        %add3A_424 = arith.addf %scan3A_397, %get3A_423 : vector<16xf32>
        %get3A_425 = arith.index_cast %scan3A_392 : i32 to index
        %get3A_426 = arith.constant 80 : index
        %get3A_427 = tpu.vector_load %arg8[%get3A_425, %get3A_426] {strides = array<i32>} : memref<200x128xf32, #tpu.memory_space<vmem>>, vector<1x16xf32>,
        %get3A_428 = vector.shape_cast %get3A_427 : vector<1x16xf32> to vector<16xf32>
        %add3A_429 = arith.addf %scan3A_398, %get3A_428 : vector<16xf32>
        %get3A_430 = arith.index_cast %scan3A_392 : i32 to index
        %get3A_431 = arith.constant 96 : index
        %get3A_432 = tpu.vector_load %arg8[%get3A_430, %get3A_431] {strides = array<i32>} : memref<200x128xf32, #tpu.memory_space<vmem>>, vector<1x16xf32>,
        %get3A_433 = vector.shape_cast %get3A_432 : vector<1x16xf32> to vector<16xf32>
        %add3A_434 = arith.addf %scan3A_399, %get3A_433 : vector<16xf32>
        %get3A_435 = arith.index_cast %scan3A_392 : i32 to index
        %get3A_436 = arith.constant 112 : index
        %get3A_437 = tpu.vector_load %arg8[%get3A_435, %get3A_436] {strides = array<i32>} : memref<200x128xf32, #tpu.memory_space<vmem>>, vector<1x16xf32>,
        %get3A_438 = vector.shape_cast %get3A_437 : vector<1x16xf32> to vector<16xf32>
        %add3A_439 = arith.addf %scan3A_400, %get3A_438 : vector<16xf32>
        scf.yield %add3A_404, %add3A_409, %add3A_414, %add3A_419, %add3A_424, %add3A_429, %add3A_434, %add3A_439 : vector<16xf32>, vector<16xf32>, vector<16xf32>, vector<16xf32>, vector<16xf32>, vector<16xf32>, vector<16xf32>, vector<16xf32>
      }
      %scan3A_206 = arith.constant 200 : i32
      %mul3A_207 = arith.constant 128 : i32
      %mul3A_208 = arith.muli %mul3A_140, %mul3A_207 : i32
      %add3A_209 = arith.constant 0 : i32
      %add3A_210 = arith.addi %mul3A_208, %add3A_209 : i32
      %swap3A = arith.index_cast %add3A_210 : i32 to index
      %swap3A_211 = tpu.vector_load %arg10[%swap3A] {strides = array<i32>} : memref<16384xf32, #tpu.memory_space<vmem>>, vector<16xf32>,
      %swap3A_212 = vector.shape_cast %swap3A_211 : vector<16xf32> to vector<16xf32>
      %swap3A_213 = vector.shape_cast %scan3A_205#0 : vector<16xf32> to vector<16xf32>
      tpu.vector_store %arg10[%swap3A], %swap3A_213 {strides = array<i32>} : memref<16384xf32, #tpu.memory_space<vmem>>, vector<16xf32>,
      %mul3A_214 = arith.constant 128 : i32
      %mul3A_215 = arith.muli %mul3A_140, %mul3A_214 : i32
      %add3A_216 = arith.constant 16 : i32
      %add3A_217 = arith.addi %mul3A_215, %add3A_216 : i32
      %swap3A_218 = arith.index_cast %add3A_217 : i32 to index
      %swap3A_219 = tpu.vector_load %arg10[%swap3A_218] {strides = array<i32>} : memref<16384xf32, #tpu.memory_space<vmem>>, vector<16xf32>,
      %swap3A_220 = vector.shape_cast %swap3A_219 : vector<16xf32> to vector<16xf32>
      %swap3A_221 = vector.shape_cast %scan3A_205#1 : vector<16xf32> to vector<16xf32>
      tpu.vector_store %arg10[%swap3A_218], %swap3A_221 {strides = array<i32>} : memref<16384xf32, #tpu.memory_space<vmem>>, vector<16xf32>,
      %mul3A_222 = arith.constant 128 : i32
      %mul3A_223 = arith.muli %mul3A_140, %mul3A_222 : i32
      %add3A_224 = arith.constant 32 : i32
      %add3A_225 = arith.addi %mul3A_223, %add3A_224 : i32
      %swap3A_226 = arith.index_cast %add3A_225 : i32 to index
      %swap3A_227 = tpu.vector_load %arg10[%swap3A_226] {strides = array<i32>} : memref<16384xf32, #tpu.memory_space<vmem>>, vector<16xf32>,
      %swap3A_228 = vector.shape_cast %swap3A_227 : vector<16xf32> to vector<16xf32>
      %swap3A_229 = vector.shape_cast %scan3A_205#2 : vector<16xf32> to vector<16xf32>
      tpu.vector_store %arg10[%swap3A_226], %swap3A_229 {strides = array<i32>} : memref<16384xf32, #tpu.memory_space<vmem>>, vector<16xf32>,
      %mul3A_230 = arith.constant 128 : i32
      %mul3A_231 = arith.muli %mul3A_140, %mul3A_230 : i32
      %add3A_232 = arith.constant 48 : i32
      %add3A_233 = arith.addi %mul3A_231, %add3A_232 : i32
      %swap3A_234 = arith.index_cast %add3A_233 : i32 to index
      %swap3A_235 = tpu.vector_load %arg10[%swap3A_234] {strides = array<i32>} : memref<16384xf32, #tpu.memory_space<vmem>>, vector<16xf32>,
      %swap3A_236 = vector.shape_cast %swap3A_235 : vector<16xf32> to vector<16xf32>
      %swap3A_237 = vector.shape_cast %scan3A_205#3 : vector<16xf32> to vector<16xf32>
      tpu.vector_store %arg10[%swap3A_234], %swap3A_237 {strides = array<i32>} : memref<16384xf32, #tpu.memory_space<vmem>>, vector<16xf32>,
      %mul3A_238 = arith.constant 128 : i32
      %mul3A_239 = arith.muli %mul3A_140, %mul3A_238 : i32
      %add3A_240 = arith.constant 64 : i32
      %add3A_241 = arith.addi %mul3A_239, %add3A_240 : i32
      %swap3A_242 = arith.index_cast %add3A_241 : i32 to index
      %swap3A_243 = tpu.vector_load %arg10[%swap3A_242] {strides = array<i32>} : memref<16384xf32, #tpu.memory_space<vmem>>, vector<16xf32>,
      %swap3A_244 = vector.shape_cast %swap3A_243 : vector<16xf32> to vector<16xf32>
      %swap3A_245 = vector.shape_cast %scan3A_205#4 : vector<16xf32> to vector<16xf32>
      tpu.vector_store %arg10[%swap3A_242], %swap3A_245 {strides = array<i32>} : memref<16384xf32, #tpu.memory_space<vmem>>, vector<16xf32>,
      %mul3A_246 = arith.constant 128 : i32
      %mul3A_247 = arith.muli %mul3A_140, %mul3A_246 : i32
      %add3A_248 = arith.constant 80 : i32
      %add3A_249 = arith.addi %mul3A_247, %add3A_248 : i32
      %swap3A_250 = arith.index_cast %add3A_249 : i32 to index
      %swap3A_251 = tpu.vector_load %arg10[%swap3A_250] {strides = array<i32>} : memref<16384xf32, #tpu.memory_space<vmem>>, vector<16xf32>,
      %swap3A_252 = vector.shape_cast %swap3A_251 : vector<16xf32> to vector<16xf32>
      %swap3A_253 = vector.shape_cast %scan3A_205#5 : vector<16xf32> to vector<16xf32>
      tpu.vector_store %arg10[%swap3A_250], %swap3A_253 {strides = array<i32>} : memref<16384xf32, #tpu.memory_space<vmem>>, vector<16xf32>,
      %mul3A_254 = arith.constant 128 : i32
      %mul3A_255 = arith.muli %mul3A_140, %mul3A_254 : i32
      %add3A_256 = arith.constant 96 : i32
      %add3A_257 = arith.addi %mul3A_255, %add3A_256 : i32
      %swap3A_258 = arith.index_cast %add3A_257 : i32 to index
      %swap3A_259 = tpu.vector_load %arg10[%swap3A_258] {strides = array<i32>} : memref<16384xf32, #tpu.memory_space<vmem>>, vector<16xf32>,
      %swap3A_260 = vector.shape_cast %swap3A_259 : vector<16xf32> to vector<16xf32>
      %swap3A_261 = vector.shape_cast %scan3A_205#6 : vector<16xf32> to vector<16xf32>
      tpu.vector_store %arg10[%swap3A_258], %swap3A_261 {strides = array<i32>} : memref<16384xf32, #tpu.memory_space<vmem>>, vector<16xf32>,
      %mul3A_262 = arith.constant 128 : i32
      %mul3A_263 = arith.muli %mul3A_140, %mul3A_262 : i32
      %add3A_264 = arith.constant 112 : i32
      %add3A_265 = arith.addi %mul3A_263, %add3A_264 : i32
      %swap3A_266 = arith.index_cast %add3A_265 : i32 to index
      %swap3A_267 = tpu.vector_load %arg10[%swap3A_266] {strides = array<i32>} : memref<16384xf32, #tpu.memory_space<vmem>>, vector<16xf32>,
      %swap3A_268 = vector.shape_cast %swap3A_267 : vector<16xf32> to vector<16xf32>
      %swap3A_269 = vector.shape_cast %scan3A_205#7 : vector<16xf32> to vector<16xf32>
      tpu.vector_store %arg10[%swap3A_266], %swap3A_269 {strides = array<i32>} : memref<16384xf32, #tpu.memory_space<vmem>>, vector<16xf32>,
      %mul3A_270 = arith.constant 200 : i32
      %mul3A_271 = arith.muli %select_n3A, %mul3A_270 : i32
      %dma_start3A_272 = arith.constant 0 : i32
      %dma_start3A_273 = arith.constant 0 : i32
      %dma_start3A_274 = tpu.memref_slice %arg8[%dma_start3A_272, %dma_start3A_273] : memref<200x128xf32, #tpu.memory_space<vmem>> -> memref<104x128xf32, #tpu.memory_space<vmem>>
      %dma_start3A_275 = tpu.memref_slice %arg7[%mul3A_271] : memref<25600xi32, #tpu.memory_space<vmem>> -> memref<104xi32, #tpu.memory_space<vmem>>
      %dma_start3A_276 = arith.constant 0 : i32
      %dma_start3A_277 = arith.constant 0 : i32
      %dma_start3A_278 = tpu.memref_slice %arg3[%dma_start3A_276, %dma_start3A_277] : memref<100000x128xf32, #tpu.memory_space<hbm>> -> memref<100000x128xf32, #tpu.memory_space<hbm>>
      tpu.enqueue_indirect_dma source(%dma_start3A_278 : memref<100000x128xf32, #tpu.memory_space<hbm>>) target(%dma_start3A_274 : memref<104x128xf32, #tpu.memory_space<vmem>>) offsets(%dma_start3A_275 : memref<104xi32, #tpu.memory_space<vmem>>) semaphore(%arg11 : memref<!tpu.dma_semaphore, #tpu.memory_space<semaphore_mem>>)
      %mul3A_279 = arith.constant 200 : i32
      %mul3A_280 = arith.muli %select_n3A, %mul3A_279 : i32
      %add3A_281 = arith.constant 104 : i32
      %add3A_282 = arith.addi %mul3A_280, %add3A_281 : i32
      %dma_start3A_283 = arith.constant 104 : i32
      %dma_start3A_284 = arith.constant 0 : i32
      %dma_start3A_285 = tpu.memref_slice %arg8[%dma_start3A_283, %dma_start3A_284] : memref<200x128xf32, #tpu.memory_space<vmem>> -> memref<96x128xf32, #tpu.memory_space<vmem>>
      %dma_start3A_286 = tpu.memref_slice %arg7[%add3A_282] : memref<25600xi32, #tpu.memory_space<vmem>> -> memref<96xi32, #tpu.memory_space<vmem>>
      %dma_start3A_287 = arith.constant 0 : i32
      %dma_start3A_288 = arith.constant 0 : i32
      %dma_start3A_289 = tpu.memref_slice %arg3[%dma_start3A_287, %dma_start3A_288] : memref<100000x128xf32, #tpu.memory_space<hbm>> -> memref<100000x128xf32, #tpu.memory_space<hbm>>
      tpu.enqueue_indirect_dma source(%dma_start3A_289 : memref<100000x128xf32, #tpu.memory_space<hbm>>) target(%dma_start3A_285 : memref<96x128xf32, #tpu.memory_space<vmem>>) offsets(%dma_start3A_286 : memref<96xi32, #tpu.memory_space<vmem>>) semaphore(%arg11 : memref<!tpu.dma_semaphore, #tpu.memory_space<semaphore_mem>>)
      %dma_wait3A_290 = arith.constant 0 : i32
      %dma_wait3A_291 = arith.constant 0 : i32
      %dma_wait3A_292 = tpu.memref_slice %arg9[%dma_wait3A_290, %dma_wait3A_291] : memref<200x128xf32, #tpu.memory_space<vmem>> -> memref<104x128xf32, #tpu.memory_space<vmem>>
      %dma_wait3A_293 = arith.constant 0 : i32
      %dma_wait3A_294 = tpu.memref_slice %arg7[%dma_wait3A_293] : memref<25600xi32, #tpu.memory_space<vmem>> -> memref<104xi32, #tpu.memory_space<vmem>>
      %dma_wait3A_295 = arith.constant 0 : i32
      %dma_wait3A_296 = arith.constant 0 : i32
      %dma_wait3A_297 = tpu.memref_slice %arg3[%dma_wait3A_295, %dma_wait3A_296] : memref<100000x128xf32, #tpu.memory_space<hbm>> -> memref<100000x128xf32, #tpu.memory_space<hbm>>
      tpu.wait_indirect_dma semaphore(%arg12 : memref<!tpu.dma_semaphore, #tpu.memory_space<semaphore_mem>>) src(%dma_wait3A_297 : memref<100000x128xf32, #tpu.memory_space<hbm>>) dst(%dma_wait3A_292 : memref<104x128xf32, #tpu.memory_space<vmem>>)
      %dma_wait3A_298 = arith.constant 104 : i32
      %dma_wait3A_299 = arith.constant 0 : i32
      %dma_wait3A_300 = tpu.memref_slice %arg9[%dma_wait3A_298, %dma_wait3A_299] : memref<200x128xf32, #tpu.memory_space<vmem>> -> memref<96x128xf32, #tpu.memory_space<vmem>>
      %dma_wait3A_301 = arith.constant 0 : i32
      %dma_wait3A_302 = tpu.memref_slice %arg7[%dma_wait3A_301] : memref<25600xi32, #tpu.memory_space<vmem>> -> memref<96xi32, #tpu.memory_space<vmem>>
      %dma_wait3A_303 = arith.constant 0 : i32
      %dma_wait3A_304 = arith.constant 0 : i32
      %dma_wait3A_305 = tpu.memref_slice %arg3[%dma_wait3A_303, %dma_wait3A_304] : memref<100000x128xf32, #tpu.memory_space<hbm>> -> memref<100000x128xf32, #tpu.memory_space<hbm>>
      tpu.wait_indirect_dma semaphore(%arg12 : memref<!tpu.dma_semaphore, #tpu.memory_space<semaphore_mem>>) src(%dma_wait3A_305 : memref<100000x128xf32, #tpu.memory_space<hbm>>) dst(%dma_wait3A_300 : memref<96x128xf32, #tpu.memory_space<vmem>>)
      %broadcast_in_dim3A_306 = arith.constant 0.000000e+00 : f32
      %broadcast_in_dim3A_307 = vector.broadcast %broadcast_in_dim3A_306 : f32 to vector<16xf32>
      %broadcast_in_dim3A_308 = arith.constant 0.000000e+00 : f32
      %broadcast_in_dim3A_309 = vector.broadcast %broadcast_in_dim3A_308 : f32 to vector<16xf32>
      %broadcast_in_dim3A_310 = arith.constant 0.000000e+00 : f32
      %broadcast_in_dim3A_311 = vector.broadcast %broadcast_in_dim3A_310 : f32 to vector<16xf32>
      %broadcast_in_dim3A_312 = arith.constant 0.000000e+00 : f32
      %broadcast_in_dim3A_313 = vector.broadcast %broadcast_in_dim3A_312 : f32 to vector<16xf32>
      %broadcast_in_dim3A_314 = arith.constant 0.000000e+00 : f32
      %broadcast_in_dim3A_315 = vector.broadcast %broadcast_in_dim3A_314 : f32 to vector<16xf32>
      %broadcast_in_dim3A_316 = arith.constant 0.000000e+00 : f32
      %broadcast_in_dim3A_317 = vector.broadcast %broadcast_in_dim3A_316 : f32 to vector<16xf32>
      %broadcast_in_dim3A_318 = arith.constant 0.000000e+00 : f32
      %broadcast_in_dim3A_319 = vector.broadcast %broadcast_in_dim3A_318 : f32 to vector<16xf32>
      %broadcast_in_dim3A_320 = arith.constant 0.000000e+00 : f32
      %broadcast_in_dim3A_321 = vector.broadcast %broadcast_in_dim3A_320 : f32 to vector<16xf32>
      %scan3A_322 = arith.constant 0 : i32
      %scan3A_323 = arith.constant 200 : i32
      %scan3A_324 = arith.addi %scan3A_322, %scan3A_323 : i32
      %scan3A_325 = arith.constant 1 : i32
      %scan3A_326:8 = scf.for %scan3A_392 = %scan3A_322 to %scan3A_324 step %scan3A_325 iter_args(%scan3A_393 = %broadcast_in_dim3A_307, %scan3A_394 = %broadcast_in_dim3A_309, %scan3A_395 = %broadcast_in_dim3A_311, %scan3A_396 = %broadcast_in_dim3A_313, %scan3A_397 = %broadcast_in_dim3A_315, %scan3A_398 = %broadcast_in_dim3A_317, %scan3A_399 = %broadcast_in_dim3A_319, %scan3A_400 = %broadcast_in_dim3A_321) -> (vector<16xf32>, vector<16xf32>, vector<16xf32>, vector<16xf32>, vector<16xf32>, vector<16xf32>, vector<16xf32>, vector<16xf32>)  : i32 {
        %get3A = arith.index_cast %scan3A_392 : i32 to index
        %get3A_401 = arith.constant 0 : index
        %get3A_402 = tpu.vector_load %arg9[%get3A, %get3A_401] {strides = array<i32>} : memref<200x128xf32, #tpu.memory_space<vmem>>, vector<1x16xf32>,
        %get3A_403 = vector.shape_cast %get3A_402 : vector<1x16xf32> to vector<16xf32>
        %add3A_404 = arith.addf %scan3A_393, %get3A_403 : vector<16xf32>
        %get3A_405 = arith.index_cast %scan3A_392 : i32 to index
        %get3A_406 = arith.constant 16 : index
        %get3A_407 = tpu.vector_load %arg9[%get3A_405, %get3A_406] {strides = array<i32>} : memref<200x128xf32, #tpu.memory_space<vmem>>, vector<1x16xf32>,
        %get3A_408 = vector.shape_cast %get3A_407 : vector<1x16xf32> to vector<16xf32>
        %add3A_409 = arith.addf %scan3A_394, %get3A_408 : vector<16xf32>
        %get3A_410 = arith.index_cast %scan3A_392 : i32 to index
        %get3A_411 = arith.constant 32 : index
        %get3A_412 = tpu.vector_load %arg9[%get3A_410, %get3A_411] {strides = array<i32>} : memref<200x128xf32, #tpu.memory_space<vmem>>, vector<1x16xf32>,
        %get3A_413 = vector.shape_cast %get3A_412 : vector<1x16xf32> to vector<16xf32>
        %add3A_414 = arith.addf %scan3A_395, %get3A_413 : vector<16xf32>
        %get3A_415 = arith.index_cast %scan3A_392 : i32 to index
        %get3A_416 = arith.constant 48 : index
        %get3A_417 = tpu.vector_load %arg9[%get3A_415, %get3A_416] {strides = array<i32>} : memref<200x128xf32, #tpu.memory_space<vmem>>, vector<1x16xf32>,
        %get3A_418 = vector.shape_cast %get3A_417 : vector<1x16xf32> to vector<16xf32>
        %add3A_419 = arith.addf %scan3A_396, %get3A_418 : vector<16xf32>
        %get3A_420 = arith.index_cast %scan3A_392 : i32 to index
        %get3A_421 = arith.constant 64 : index
        %get3A_422 = tpu.vector_load %arg9[%get3A_420, %get3A_421] {strides = array<i32>} : memref<200x128xf32, #tpu.memory_space<vmem>>, vector<1x16xf32>,
        %get3A_423 = vector.shape_cast %get3A_422 : vector<1x16xf32> to vector<16xf32>
        %add3A_424 = arith.addf %scan3A_397, %get3A_423 : vector<16xf32>
        %get3A_425 = arith.index_cast %scan3A_392 : i32 to index
        %get3A_426 = arith.constant 80 : index
        %get3A_427 = tpu.vector_load %arg9[%get3A_425, %get3A_426] {strides = array<i32>} : memref<200x128xf32, #tpu.memory_space<vmem>>, vector<1x16xf32>,
        %get3A_428 = vector.shape_cast %get3A_427 : vector<1x16xf32> to vector<16xf32>
        %add3A_429 = arith.addf %scan3A_398, %get3A_428 : vector<16xf32>
        %get3A_430 = arith.index_cast %scan3A_392 : i32 to index
        %get3A_431 = arith.constant 96 : index
        %get3A_432 = tpu.vector_load %arg9[%get3A_430, %get3A_431] {strides = array<i32>} : memref<200x128xf32, #tpu.memory_space<vmem>>, vector<1x16xf32>,
        %get3A_433 = vector.shape_cast %get3A_432 : vector<1x16xf32> to vector<16xf32>
        %add3A_434 = arith.addf %scan3A_399, %get3A_433 : vector<16xf32>
        %get3A_435 = arith.index_cast %scan3A_392 : i32 to index
        %get3A_436 = arith.constant 112 : index
        %get3A_437 = tpu.vector_load %arg9[%get3A_435, %get3A_436] {strides = array<i32>} : memref<200x128xf32, #tpu.memory_space<vmem>>, vector<1x16xf32>,
        %get3A_438 = vector.shape_cast %get3A_437 : vector<1x16xf32> to vector<16xf32>
        %add3A_439 = arith.addf %scan3A_400, %get3A_438 : vector<16xf32>
        scf.yield %add3A_404, %add3A_409, %add3A_414, %add3A_419, %add3A_424, %add3A_429, %add3A_434, %add3A_439 : vector<16xf32>, vector<16xf32>, vector<16xf32>, vector<16xf32>, vector<16xf32>, vector<16xf32>, vector<16xf32>, vector<16xf32>
      }
      %scan3A_327 = arith.constant 200 : i32
      %mul3A_328 = arith.constant 128 : i32
      %mul3A_329 = arith.muli %add3A_144, %mul3A_328 : i32
      %add3A_330 = arith.constant 0 : i32
      %add3A_331 = arith.addi %mul3A_329, %add3A_330 : i32
      %swap3A_332 = arith.index_cast %add3A_331 : i32 to index
      %swap3A_333 = tpu.vector_load %arg10[%swap3A_332] {strides = array<i32>} : memref<16384xf32, #tpu.memory_space<vmem>>, vector<16xf32>,
      %swap3A_334 = vector.shape_cast %swap3A_333 : vector<16xf32> to vector<16xf32>
      %swap3A_335 = vector.shape_cast %scan3A_326#0 : vector<16xf32> to vector<16xf32>
      tpu.vector_store %arg10[%swap3A_332], %swap3A_335 {strides = array<i32>} : memref<16384xf32, #tpu.memory_space<vmem>>, vector<16xf32>,
      %mul3A_336 = arith.constant 128 : i32
      %mul3A_337 = arith.muli %add3A_144, %mul3A_336 : i32
      %add3A_338 = arith.constant 16 : i32
      %add3A_339 = arith.addi %mul3A_337, %add3A_338 : i32
      %swap3A_340 = arith.index_cast %add3A_339 : i32 to index
      %swap3A_341 = tpu.vector_load %arg10[%swap3A_340] {strides = array<i32>} : memref<16384xf32, #tpu.memory_space<vmem>>, vector<16xf32>,
      %swap3A_342 = vector.shape_cast %swap3A_341 : vector<16xf32> to vector<16xf32>
      %swap3A_343 = vector.shape_cast %scan3A_326#1 : vector<16xf32> to vector<16xf32>
      tpu.vector_store %arg10[%swap3A_340], %swap3A_343 {strides = array<i32>} : memref<16384xf32, #tpu.memory_space<vmem>>, vector<16xf32>,
      %mul3A_344 = arith.constant 128 : i32
      %mul3A_345 = arith.muli %add3A_144, %mul3A_344 : i32
      %add3A_346 = arith.constant 32 : i32
      %add3A_347 = arith.addi %mul3A_345, %add3A_346 : i32
      %swap3A_348 = arith.index_cast %add3A_347 : i32 to index
      %swap3A_349 = tpu.vector_load %arg10[%swap3A_348] {strides = array<i32>} : memref<16384xf32, #tpu.memory_space<vmem>>, vector<16xf32>,
      %swap3A_350 = vector.shape_cast %swap3A_349 : vector<16xf32> to vector<16xf32>
      %swap3A_351 = vector.shape_cast %scan3A_326#2 : vector<16xf32> to vector<16xf32>
      tpu.vector_store %arg10[%swap3A_348], %swap3A_351 {strides = array<i32>} : memref<16384xf32, #tpu.memory_space<vmem>>, vector<16xf32>,
      %mul3A_352 = arith.constant 128 : i32
      %mul3A_353 = arith.muli %add3A_144, %mul3A_352 : i32
      %add3A_354 = arith.constant 48 : i32
      %add3A_355 = arith.addi %mul3A_353, %add3A_354 : i32
      %swap3A_356 = arith.index_cast %add3A_355 : i32 to index
      %swap3A_357 = tpu.vector_load %arg10[%swap3A_356] {strides = array<i32>} : memref<16384xf32, #tpu.memory_space<vmem>>, vector<16xf32>,
      %swap3A_358 = vector.shape_cast %swap3A_357 : vector<16xf32> to vector<16xf32>
      %swap3A_359 = vector.shape_cast %scan3A_326#3 : vector<16xf32> to vector<16xf32>
      tpu.vector_store %arg10[%swap3A_356], %swap3A_359 {strides = array<i32>} : memref<16384xf32, #tpu.memory_space<vmem>>, vector<16xf32>,
      %mul3A_360 = arith.constant 128 : i32
      %mul3A_361 = arith.muli %add3A_144, %mul3A_360 : i32
      %add3A_362 = arith.constant 64 : i32
      %add3A_363 = arith.addi %mul3A_361, %add3A_362 : i32
      %swap3A_364 = arith.index_cast %add3A_363 : i32 to index
      %swap3A_365 = tpu.vector_load %arg10[%swap3A_364] {strides = array<i32>} : memref<16384xf32, #tpu.memory_space<vmem>>, vector<16xf32>,
      %swap3A_366 = vector.shape_cast %swap3A_365 : vector<16xf32> to vector<16xf32>
      %swap3A_367 = vector.shape_cast %scan3A_326#4 : vector<16xf32> to vector<16xf32>
      tpu.vector_store %arg10[%swap3A_364], %swap3A_367 {strides = array<i32>} : memref<16384xf32, #tpu.memory_space<vmem>>, vector<16xf32>,
      %mul3A_368 = arith.constant 128 : i32
      %mul3A_369 = arith.muli %add3A_144, %mul3A_368 : i32
      %add3A_370 = arith.constant 80 : i32
      %add3A_371 = arith.addi %mul3A_369, %add3A_370 : i32
      %swap3A_372 = arith.index_cast %add3A_371 : i32 to index
      %swap3A_373 = tpu.vector_load %arg10[%swap3A_372] {strides = array<i32>} : memref<16384xf32, #tpu.memory_space<vmem>>, vector<16xf32>,
      %swap3A_374 = vector.shape_cast %swap3A_373 : vector<16xf32> to vector<16xf32>
      %swap3A_375 = vector.shape_cast %scan3A_326#5 : vector<16xf32> to vector<16xf32>
      tpu.vector_store %arg10[%swap3A_372], %swap3A_375 {strides = array<i32>} : memref<16384xf32, #tpu.memory_space<vmem>>, vector<16xf32>,
      %mul3A_376 = arith.constant 128 : i32
      %mul3A_377 = arith.muli %add3A_144, %mul3A_376 : i32
      %add3A_378 = arith.constant 96 : i32
      %add3A_379 = arith.addi %mul3A_377, %add3A_378 : i32
      %swap3A_380 = arith.index_cast %add3A_379 : i32 to index
      %swap3A_381 = tpu.vector_load %arg10[%swap3A_380] {strides = array<i32>} : memref<16384xf32, #tpu.memory_space<vmem>>, vector<16xf32>,
      %swap3A_382 = vector.shape_cast %swap3A_381 : vector<16xf32> to vector<16xf32>
      %swap3A_383 = vector.shape_cast %scan3A_326#6 : vector<16xf32> to vector<16xf32>
      tpu.vector_store %arg10[%swap3A_380], %swap3A_383 {strides = array<i32>} : memref<16384xf32, #tpu.memory_space<vmem>>, vector<16xf32>,
      %mul3A_384 = arith.constant 128 : i32
      %mul3A_385 = arith.muli %add3A_144, %mul3A_384 : i32
      %add3A_386 = arith.constant 112 : i32
      %add3A_387 = arith.addi %mul3A_385, %add3A_386 : i32
      %swap3A_388 = arith.index_cast %add3A_387 : i32 to index
      %swap3A_389 = tpu.vector_load %arg10[%swap3A_388] {strides = array<i32>} : memref<16384xf32, #tpu.memory_space<vmem>>, vector<16xf32>,
      %swap3A_390 = vector.shape_cast %swap3A_389 : vector<16xf32> to vector<16xf32>
      %swap3A_391 = vector.shape_cast %scan3A_326#7 : vector<16xf32> to vector<16xf32>
      tpu.vector_store %arg10[%swap3A_388], %swap3A_391 {strides = array<i32>} : memref<16384xf32, #tpu.memory_space<vmem>>, vector<16xf32>,
    }
    %scan3A_26 = arith.constant 64 : i32
    %dma_wait3A = arith.constant 0 : i32
    %dma_wait3A_27 = arith.constant 0 : i32
    %dma_wait3A_28 = tpu.memref_slice %arg8[%dma_wait3A, %dma_wait3A_27] : memref<200x128xf32, #tpu.memory_space<vmem>> -> memref<104x128xf32, #tpu.memory_space<vmem>>
    %dma_wait3A_29 = arith.constant 0 : i32
    %dma_wait3A_30 = tpu.memref_slice %arg7[%dma_wait3A_29] : memref<25600xi32, #tpu.memory_space<vmem>> -> memref<104xi32, #tpu.memory_space<vmem>>
    %dma_wait3A_31 = arith.constant 0 : i32
    %dma_wait3A_32 = arith.constant 0 : i32
    %dma_wait3A_33 = tpu.memref_slice %arg3[%dma_wait3A_31, %dma_wait3A_32] : memref<100000x128xf32, #tpu.memory_space<hbm>> -> memref<100000x128xf32, #tpu.memory_space<hbm>>
    tpu.wait_indirect_dma semaphore(%arg11 : memref<!tpu.dma_semaphore, #tpu.memory_space<semaphore_mem>>) src(%dma_wait3A_33 : memref<100000x128xf32, #tpu.memory_space<hbm>>) dst(%dma_wait3A_28 : memref<104x128xf32, #tpu.memory_space<vmem>>)
    %dma_wait3A_34 = arith.constant 104 : i32
    %dma_wait3A_35 = arith.constant 0 : i32
    %dma_wait3A_36 = tpu.memref_slice %arg8[%dma_wait3A_34, %dma_wait3A_35] : memref<200x128xf32, #tpu.memory_space<vmem>> -> memref<96x128xf32, #tpu.memory_space<vmem>>
    %dma_wait3A_37 = arith.constant 0 : i32
    %dma_wait3A_38 = tpu.memref_slice %arg7[%dma_wait3A_37] : memref<25600xi32, #tpu.memory_space<vmem>> -> memref<96xi32, #tpu.memory_space<vmem>>
    %dma_wait3A_39 = arith.constant 0 : i32
    %dma_wait3A_40 = arith.constant 0 : i32
    %dma_wait3A_41 = tpu.memref_slice %arg3[%dma_wait3A_39, %dma_wait3A_40] : memref<100000x128xf32, #tpu.memory_space<hbm>> -> memref<100000x128xf32, #tpu.memory_space<hbm>>
    tpu.wait_indirect_dma semaphore(%arg11 : memref<!tpu.dma_semaphore, #tpu.memory_space<semaphore_mem>>) src(%dma_wait3A_41 : memref<100000x128xf32, #tpu.memory_space<hbm>>) dst(%dma_wait3A_36 : memref<96x128xf32, #tpu.memory_space<vmem>>)
    %add3A_42 = arith.constant 0 : i32
    %add3A_43 = arith.addi %add3A_42, %mul3A_2 : i32
    %mul3A_44 = arith.constant 128 : i32
    %mul3A_45 = arith.muli %add3A_43, %mul3A_44 : i32
    "tpu.region"() ({
      %run_scoped3A = tpu.sem_alloc : memref<!tpu.dma_semaphore, #tpu.memory_space<semaphore_mem>>
      %dma_start3A_138 = tpu.memref_slice %arg6[%mul3A_45] : memref<1572864xf32, #tpu.memory_space<hbm>> -> memref<16384xf32, #tpu.memory_space<hbm>>
      %dma_start3A_139 = tpu.memref_slice %arg6[%mul3A_45] : memref<1572864xf32, #tpu.memory_space<hbm>> -> memref<16384xf32, #tpu.memory_space<hbm>>
      tpu.enqueue_dma source(%arg10 : memref<16384xf32, #tpu.memory_space<vmem>>) target(%dma_start3A_139 : memref<16384xf32, #tpu.memory_space<hbm>>) target_semaphore(%run_scoped3A : memref<!tpu.dma_semaphore, #tpu.memory_space<semaphore_mem>>)
      %dma_wait3A_140 = tpu.memref_slice %arg6[%mul3A_45] : memref<1572864xf32, #tpu.memory_space<hbm>> -> memref<16384xf32, #tpu.memory_space<hbm>>
      %dma_wait3A_141 = tpu.memref_slice %arg6[%mul3A_45] : memref<1572864xf32, #tpu.memory_space<hbm>> -> memref<16384xf32, #tpu.memory_space<hbm>>
      tpu.wait_dma2 semaphore(%run_scoped3A : memref<!tpu.dma_semaphore, #tpu.memory_space<semaphore_mem>>) src(%arg10 : memref<16384xf32, #tpu.memory_space<vmem>>) dst(%dma_wait3A_141 : memref<16384xf32, #tpu.memory_space<hbm>>)
      tpu.yield
    }) : () -> ()
    %mul3A_46 = arith.constant 200 : i32
    %mul3A_47 = arith.muli %mul3A_2, %mul3A_46 : i32
    %add3A_48 = arith.constant 1638400 : i32
    %add3A_49 = arith.addi %add3A_48, %mul3A_47 : i32
    "tpu.region"() ({
      %run_scoped3A = tpu.sem_alloc : memref<!tpu.dma_semaphore, #tpu.memory_space<semaphore_mem>>
      %dma_start3A_138 = tpu.memref_slice %arg2[%add3A_49] : memref<3276800xi32, #tpu.memory_space<hbm>> -> memref<25600xi32, #tpu.memory_space<hbm>>
      %dma_start3A_139 = tpu.memref_slice %arg2[%add3A_49] : memref<3276800xi32, #tpu.memory_space<hbm>> -> memref<25600xi32, #tpu.memory_space<hbm>>
      tpu.enqueue_dma source(%dma_start3A_139 : memref<25600xi32, #tpu.memory_space<hbm>>) target(%arg7 : memref<25600xi32, #tpu.memory_space<vmem>>) target_semaphore(%run_scoped3A : memref<!tpu.dma_semaphore, #tpu.memory_space<semaphore_mem>>)
      %dma_wait3A_140 = tpu.memref_slice %arg2[%add3A_49] : memref<3276800xi32, #tpu.memory_space<hbm>> -> memref<25600xi32, #tpu.memory_space<hbm>>
      %dma_wait3A_141 = tpu.memref_slice %arg2[%add3A_49] : memref<3276800xi32, #tpu.memory_space<hbm>> -> memref<25600xi32, #tpu.memory_space<hbm>>
      tpu.wait_dma2 semaphore(%run_scoped3A : memref<!tpu.dma_semaphore, #tpu.memory_space<semaphore_mem>>) src(%dma_wait3A_141 : memref<25600xi32, #tpu.memory_space<hbm>>) dst(%arg7 : memref<25600xi32, #tpu.memory_space<vmem>>)
      tpu.yield
    }) : () -> ()
    %dma_start3A_50 = arith.constant 0 : i32
    %dma_start3A_51 = arith.constant 0 : i32
    %dma_start3A_52 = tpu.memref_slice %arg8[%dma_start3A_50, %dma_start3A_51] : memref<200x128xf32, #tpu.memory_space<vmem>> -> memref<104x128xf32, #tpu.memory_space<vmem>>
    %dma_start3A_53 = arith.constant 0 : i32
    %dma_start3A_54 = tpu.memref_slice %arg7[%dma_start3A_53] : memref<25600xi32, #tpu.memory_space<vmem>> -> memref<104xi32, #tpu.memory_space<vmem>>
    %dma_start3A_55 = arith.constant 0 : i32
    %dma_start3A_56 = arith.constant 0 : i32
    %dma_start3A_57 = tpu.memref_slice %arg4[%dma_start3A_55, %dma_start3A_56] : memref<100000x128xf32, #tpu.memory_space<hbm>> -> memref<100000x128xf32, #tpu.memory_space<hbm>>
    tpu.enqueue_indirect_dma source(%dma_start3A_57 : memref<100000x128xf32, #tpu.memory_space<hbm>>) target(%dma_start3A_52 : memref<104x128xf32, #tpu.memory_space<vmem>>) offsets(%dma_start3A_54 : memref<104xi32, #tpu.memory_space<vmem>>) semaphore(%arg11 : memref<!tpu.dma_semaphore, #tpu.memory_space<semaphore_mem>>)
    %dma_start3A_58 = arith.constant 104 : i32
    %dma_start3A_59 = arith.constant 0 : i32
    %dma_start3A_60 = tpu.memref_slice %arg8[%dma_start3A_58, %dma_start3A_59] : memref<200x128xf32, #tpu.memory_space<vmem>> -> memref<96x128xf32, #tpu.memory_space<vmem>>
    %dma_start3A_61 = arith.constant 104 : i32
    %dma_start3A_62 = tpu.memref_slice %arg7[%dma_start3A_61] : memref<25600xi32, #tpu.memory_space<vmem>> -> memref<96xi32, #tpu.memory_space<vmem>>
    %dma_start3A_63 = arith.constant 0 : i32
    %dma_start3A_64 = arith.constant 0 : i32
    %dma_start3A_65 = tpu.memref_slice %arg4[%dma_start3A_63, %dma_start3A_64] : memref<100000x128xf32, #tpu.memory_space<hbm>> -> memref<100000x128xf32, #tpu.memory_space<hbm>>
    tpu.enqueue_indirect_dma source(%dma_start3A_65 : memref<100000x128xf32, #tpu.memory_space<hbm>>) target(%dma_start3A_60 : memref<96x128xf32, #tpu.memory_space<vmem>>) offsets(%dma_start3A_62 : memref<96xi32, #tpu.memory_space<vmem>>) semaphore(%arg11 : memref<!tpu.dma_semaphore, #tpu.memory_space<semaphore_mem>>)
    %scan3A_66 = arith.constant 0 : i32
    %scan3A_67 = arith.constant 0 : i32
    %scan3A_68 = arith.constant 64 : i32
    %scan3A_69 = arith.addi %scan3A_67, %scan3A_68 : i32
    %scan3A_70 = arith.constant 1 : i32
    scf.for %scan3A_138 = %scan3A_67 to %scan3A_69 step %scan3A_70  : i32 {
      %mul3A_139 = arith.constant 2 : i32
      %mul3A_140 = arith.muli %mul3A_139, %scan3A_138 : i32
      %mul3A_141 = arith.constant 2 : i32
      %mul3A_142 = arith.muli %mul3A_141, %scan3A_138 : i32
      %add3A_143 = arith.constant 1 : i32
      %add3A_144 = arith.addi %mul3A_142, %add3A_143 : i32
      %add3A_145 = arith.constant 2 : i32
      %add3A_146 = arith.addi %mul3A_140, %add3A_145 : i32
      %ge3A = arith.constant 128 : i32
      %ge3A_147 = arith.cmpi sge, %add3A_146, %ge3A : i32
      %add3A_148 = arith.constant 2 : i32
      %add3A_149 = arith.addi %mul3A_140, %add3A_148 : i32
      %jit3A = arith.constant 0 : i32
      %select_n3A = arith.select %ge3A_147, %jit3A, %add3A_149 : i32
      %mul3A_150 = arith.constant 200 : i32
      %mul3A_151 = arith.muli %add3A_144, %mul3A_150 : i32
      %dma_start3A_152 = arith.constant 0 : i32
      %dma_start3A_153 = arith.constant 0 : i32
      %dma_start3A_154 = tpu.memref_slice %arg9[%dma_start3A_152, %dma_start3A_153] : memref<200x128xf32, #tpu.memory_space<vmem>> -> memref<104x128xf32, #tpu.memory_space<vmem>>
      %dma_start3A_155 = tpu.memref_slice %arg7[%mul3A_151] : memref<25600xi32, #tpu.memory_space<vmem>> -> memref<104xi32, #tpu.memory_space<vmem>>
      %dma_start3A_156 = arith.constant 0 : i32
      %dma_start3A_157 = arith.constant 0 : i32
      %dma_start3A_158 = tpu.memref_slice %arg4[%dma_start3A_156, %dma_start3A_157] : memref<100000x128xf32, #tpu.memory_space<hbm>> -> memref<100000x128xf32, #tpu.memory_space<hbm>>
      tpu.enqueue_indirect_dma source(%dma_start3A_158 : memref<100000x128xf32, #tpu.memory_space<hbm>>) target(%dma_start3A_154 : memref<104x128xf32, #tpu.memory_space<vmem>>) offsets(%dma_start3A_155 : memref<104xi32, #tpu.memory_space<vmem>>) semaphore(%arg12 : memref<!tpu.dma_semaphore, #tpu.memory_space<semaphore_mem>>)
      %mul3A_159 = arith.constant 200 : i32
      %mul3A_160 = arith.muli %add3A_144, %mul3A_159 : i32
      %add3A_161 = arith.constant 104 : i32
      %add3A_162 = arith.addi %mul3A_160, %add3A_161 : i32
      %dma_start3A_163 = arith.constant 104 : i32
      %dma_start3A_164 = arith.constant 0 : i32
      %dma_start3A_165 = tpu.memref_slice %arg9[%dma_start3A_163, %dma_start3A_164] : memref<200x128xf32, #tpu.memory_space<vmem>> -> memref<96x128xf32, #tpu.memory_space<vmem>>
      %dma_start3A_166 = tpu.memref_slice %arg7[%add3A_162] : memref<25600xi32, #tpu.memory_space<vmem>> -> memref<96xi32, #tpu.memory_space<vmem>>
      %dma_start3A_167 = arith.constant 0 : i32
      %dma_start3A_168 = arith.constant 0 : i32
      %dma_start3A_169 = tpu.memref_slice %arg4[%dma_start3A_167, %dma_start3A_168] : memref<100000x128xf32, #tpu.memory_space<hbm>> -> memref<100000x128xf32, #tpu.memory_space<hbm>>
      tpu.enqueue_indirect_dma source(%dma_start3A_169 : memref<100000x128xf32, #tpu.memory_space<hbm>>) target(%dma_start3A_165 : memref<96x128xf32, #tpu.memory_space<vmem>>) offsets(%dma_start3A_166 : memref<96xi32, #tpu.memory_space<vmem>>) semaphore(%arg12 : memref<!tpu.dma_semaphore, #tpu.memory_space<semaphore_mem>>)
      %dma_wait3A_170 = arith.constant 0 : i32
      %dma_wait3A_171 = arith.constant 0 : i32
      %dma_wait3A_172 = tpu.memref_slice %arg8[%dma_wait3A_170, %dma_wait3A_171] : memref<200x128xf32, #tpu.memory_space<vmem>> -> memref<104x128xf32, #tpu.memory_space<vmem>>
      %dma_wait3A_173 = arith.constant 0 : i32
      %dma_wait3A_174 = tpu.memref_slice %arg7[%dma_wait3A_173] : memref<25600xi32, #tpu.memory_space<vmem>> -> memref<104xi32, #tpu.memory_space<vmem>>
      %dma_wait3A_175 = arith.constant 0 : i32
      %dma_wait3A_176 = arith.constant 0 : i32
      %dma_wait3A_177 = tpu.memref_slice %arg4[%dma_wait3A_175, %dma_wait3A_176] : memref<100000x128xf32, #tpu.memory_space<hbm>> -> memref<100000x128xf32, #tpu.memory_space<hbm>>
      tpu.wait_indirect_dma semaphore(%arg11 : memref<!tpu.dma_semaphore, #tpu.memory_space<semaphore_mem>>) src(%dma_wait3A_177 : memref<100000x128xf32, #tpu.memory_space<hbm>>) dst(%dma_wait3A_172 : memref<104x128xf32, #tpu.memory_space<vmem>>)
      %dma_wait3A_178 = arith.constant 104 : i32
      %dma_wait3A_179 = arith.constant 0 : i32
      %dma_wait3A_180 = tpu.memref_slice %arg8[%dma_wait3A_178, %dma_wait3A_179] : memref<200x128xf32, #tpu.memory_space<vmem>> -> memref<96x128xf32, #tpu.memory_space<vmem>>
      %dma_wait3A_181 = arith.constant 0 : i32
      %dma_wait3A_182 = tpu.memref_slice %arg7[%dma_wait3A_181] : memref<25600xi32, #tpu.memory_space<vmem>> -> memref<96xi32, #tpu.memory_space<vmem>>
      %dma_wait3A_183 = arith.constant 0 : i32
      %dma_wait3A_184 = arith.constant 0 : i32
      %dma_wait3A_185 = tpu.memref_slice %arg4[%dma_wait3A_183, %dma_wait3A_184] : memref<100000x128xf32, #tpu.memory_space<hbm>> -> memref<100000x128xf32, #tpu.memory_space<hbm>>
      tpu.wait_indirect_dma semaphore(%arg11 : memref<!tpu.dma_semaphore, #tpu.memory_space<semaphore_mem>>) src(%dma_wait3A_185 : memref<100000x128xf32, #tpu.memory_space<hbm>>) dst(%dma_wait3A_180 : memref<96x128xf32, #tpu.memory_space<vmem>>)
      %broadcast_in_dim3A = arith.constant 0.000000e+00 : f32
      %broadcast_in_dim3A_186 = vector.broadcast %broadcast_in_dim3A : f32 to vector<16xf32>
      %broadcast_in_dim3A_187 = arith.constant 0.000000e+00 : f32
      %broadcast_in_dim3A_188 = vector.broadcast %broadcast_in_dim3A_187 : f32 to vector<16xf32>
      %broadcast_in_dim3A_189 = arith.constant 0.000000e+00 : f32
      %broadcast_in_dim3A_190 = vector.broadcast %broadcast_in_dim3A_189 : f32 to vector<16xf32>
      %broadcast_in_dim3A_191 = arith.constant 0.000000e+00 : f32
      %broadcast_in_dim3A_192 = vector.broadcast %broadcast_in_dim3A_191 : f32 to vector<16xf32>
      %broadcast_in_dim3A_193 = arith.constant 0.000000e+00 : f32
      %broadcast_in_dim3A_194 = vector.broadcast %broadcast_in_dim3A_193 : f32 to vector<16xf32>
      %broadcast_in_dim3A_195 = arith.constant 0.000000e+00 : f32
      %broadcast_in_dim3A_196 = vector.broadcast %broadcast_in_dim3A_195 : f32 to vector<16xf32>
      %broadcast_in_dim3A_197 = arith.constant 0.000000e+00 : f32
      %broadcast_in_dim3A_198 = vector.broadcast %broadcast_in_dim3A_197 : f32 to vector<16xf32>
      %broadcast_in_dim3A_199 = arith.constant 0.000000e+00 : f32
      %broadcast_in_dim3A_200 = vector.broadcast %broadcast_in_dim3A_199 : f32 to vector<16xf32>
      %scan3A_201 = arith.constant 0 : i32
      %scan3A_202 = arith.constant 200 : i32
      %scan3A_203 = arith.addi %scan3A_201, %scan3A_202 : i32
      %scan3A_204 = arith.constant 1 : i32
      %scan3A_205:8 = scf.for %scan3A_392 = %scan3A_201 to %scan3A_203 step %scan3A_204 iter_args(%scan3A_393 = %broadcast_in_dim3A_186, %scan3A_394 = %broadcast_in_dim3A_188, %scan3A_395 = %broadcast_in_dim3A_190, %scan3A_396 = %broadcast_in_dim3A_192, %scan3A_397 = %broadcast_in_dim3A_194, %scan3A_398 = %broadcast_in_dim3A_196, %scan3A_399 = %broadcast_in_dim3A_198, %scan3A_400 = %broadcast_in_dim3A_200) -> (vector<16xf32>, vector<16xf32>, vector<16xf32>, vector<16xf32>, vector<16xf32>, vector<16xf32>, vector<16xf32>, vector<16xf32>)  : i32 {
        %get3A = arith.index_cast %scan3A_392 : i32 to index
        %get3A_401 = arith.constant 0 : index
        %get3A_402 = tpu.vector_load %arg8[%get3A, %get3A_401] {strides = array<i32>} : memref<200x128xf32, #tpu.memory_space<vmem>>, vector<1x16xf32>,
        %get3A_403 = vector.shape_cast %get3A_402 : vector<1x16xf32> to vector<16xf32>
        %add3A_404 = arith.addf %scan3A_393, %get3A_403 : vector<16xf32>
        %get3A_405 = arith.index_cast %scan3A_392 : i32 to index
        %get3A_406 = arith.constant 16 : index
        %get3A_407 = tpu.vector_load %arg8[%get3A_405, %get3A_406] {strides = array<i32>} : memref<200x128xf32, #tpu.memory_space<vmem>>, vector<1x16xf32>,
        %get3A_408 = vector.shape_cast %get3A_407 : vector<1x16xf32> to vector<16xf32>
        %add3A_409 = arith.addf %scan3A_394, %get3A_408 : vector<16xf32>
        %get3A_410 = arith.index_cast %scan3A_392 : i32 to index
        %get3A_411 = arith.constant 32 : index
        %get3A_412 = tpu.vector_load %arg8[%get3A_410, %get3A_411] {strides = array<i32>} : memref<200x128xf32, #tpu.memory_space<vmem>>, vector<1x16xf32>,
        %get3A_413 = vector.shape_cast %get3A_412 : vector<1x16xf32> to vector<16xf32>
        %add3A_414 = arith.addf %scan3A_395, %get3A_413 : vector<16xf32>
        %get3A_415 = arith.index_cast %scan3A_392 : i32 to index
        %get3A_416 = arith.constant 48 : index
        %get3A_417 = tpu.vector_load %arg8[%get3A_415, %get3A_416] {strides = array<i32>} : memref<200x128xf32, #tpu.memory_space<vmem>>, vector<1x16xf32>,
        %get3A_418 = vector.shape_cast %get3A_417 : vector<1x16xf32> to vector<16xf32>
        %add3A_419 = arith.addf %scan3A_396, %get3A_418 : vector<16xf32>
        %get3A_420 = arith.index_cast %scan3A_392 : i32 to index
        %get3A_421 = arith.constant 64 : index
        %get3A_422 = tpu.vector_load %arg8[%get3A_420, %get3A_421] {strides = array<i32>} : memref<200x128xf32, #tpu.memory_space<vmem>>, vector<1x16xf32>,
        %get3A_423 = vector.shape_cast %get3A_422 : vector<1x16xf32> to vector<16xf32>
        %add3A_424 = arith.addf %scan3A_397, %get3A_423 : vector<16xf32>
        %get3A_425 = arith.index_cast %scan3A_392 : i32 to index
        %get3A_426 = arith.constant 80 : index
        %get3A_427 = tpu.vector_load %arg8[%get3A_425, %get3A_426] {strides = array<i32>} : memref<200x128xf32, #tpu.memory_space<vmem>>, vector<1x16xf32>,
        %get3A_428 = vector.shape_cast %get3A_427 : vector<1x16xf32> to vector<16xf32>
        %add3A_429 = arith.addf %scan3A_398, %get3A_428 : vector<16xf32>
        %get3A_430 = arith.index_cast %scan3A_392 : i32 to index
        %get3A_431 = arith.constant 96 : index
        %get3A_432 = tpu.vector_load %arg8[%get3A_430, %get3A_431] {strides = array<i32>} : memref<200x128xf32, #tpu.memory_space<vmem>>, vector<1x16xf32>,
        %get3A_433 = vector.shape_cast %get3A_432 : vector<1x16xf32> to vector<16xf32>
        %add3A_434 = arith.addf %scan3A_399, %get3A_433 : vector<16xf32>
        %get3A_435 = arith.index_cast %scan3A_392 : i32 to index
        %get3A_436 = arith.constant 112 : index
        %get3A_437 = tpu.vector_load %arg8[%get3A_435, %get3A_436] {strides = array<i32>} : memref<200x128xf32, #tpu.memory_space<vmem>>, vector<1x16xf32>,
        %get3A_438 = vector.shape_cast %get3A_437 : vector<1x16xf32> to vector<16xf32>
        %add3A_439 = arith.addf %scan3A_400, %get3A_438 : vector<16xf32>
        scf.yield %add3A_404, %add3A_409, %add3A_414, %add3A_419, %add3A_424, %add3A_429, %add3A_434, %add3A_439 : vector<16xf32>, vector<16xf32>, vector<16xf32>, vector<16xf32>, vector<16xf32>, vector<16xf32>, vector<16xf32>, vector<16xf32>
      }
      %scan3A_206 = arith.constant 200 : i32
      %mul3A_207 = arith.constant 128 : i32
      %mul3A_208 = arith.muli %mul3A_140, %mul3A_207 : i32
      %add3A_209 = arith.constant 0 : i32
      %add3A_210 = arith.addi %mul3A_208, %add3A_209 : i32
      %swap3A = arith.index_cast %add3A_210 : i32 to index
      %swap3A_211 = tpu.vector_load %arg10[%swap3A] {strides = array<i32>} : memref<16384xf32, #tpu.memory_space<vmem>>, vector<16xf32>,
      %swap3A_212 = vector.shape_cast %swap3A_211 : vector<16xf32> to vector<16xf32>
      %swap3A_213 = vector.shape_cast %scan3A_205#0 : vector<16xf32> to vector<16xf32>
      tpu.vector_store %arg10[%swap3A], %swap3A_213 {strides = array<i32>} : memref<16384xf32, #tpu.memory_space<vmem>>, vector<16xf32>,
      %mul3A_214 = arith.constant 128 : i32
      %mul3A_215 = arith.muli %mul3A_140, %mul3A_214 : i32
      %add3A_216 = arith.constant 16 : i32
      %add3A_217 = arith.addi %mul3A_215, %add3A_216 : i32
      %swap3A_218 = arith.index_cast %add3A_217 : i32 to index
      %swap3A_219 = tpu.vector_load %arg10[%swap3A_218] {strides = array<i32>} : memref<16384xf32, #tpu.memory_space<vmem>>, vector<16xf32>,
      %swap3A_220 = vector.shape_cast %swap3A_219 : vector<16xf32> to vector<16xf32>
      %swap3A_221 = vector.shape_cast %scan3A_205#1 : vector<16xf32> to vector<16xf32>
      tpu.vector_store %arg10[%swap3A_218], %swap3A_221 {strides = array<i32>} : memref<16384xf32, #tpu.memory_space<vmem>>, vector<16xf32>,
      %mul3A_222 = arith.constant 128 : i32
      %mul3A_223 = arith.muli %mul3A_140, %mul3A_222 : i32
      %add3A_224 = arith.constant 32 : i32
      %add3A_225 = arith.addi %mul3A_223, %add3A_224 : i32
      %swap3A_226 = arith.index_cast %add3A_225 : i32 to index
      %swap3A_227 = tpu.vector_load %arg10[%swap3A_226] {strides = array<i32>} : memref<16384xf32, #tpu.memory_space<vmem>>, vector<16xf32>,
      %swap3A_228 = vector.shape_cast %swap3A_227 : vector<16xf32> to vector<16xf32>
      %swap3A_229 = vector.shape_cast %scan3A_205#2 : vector<16xf32> to vector<16xf32>
      tpu.vector_store %arg10[%swap3A_226], %swap3A_229 {strides = array<i32>} : memref<16384xf32, #tpu.memory_space<vmem>>, vector<16xf32>,
      %mul3A_230 = arith.constant 128 : i32
      %mul3A_231 = arith.muli %mul3A_140, %mul3A_230 : i32
      %add3A_232 = arith.constant 48 : i32
      %add3A_233 = arith.addi %mul3A_231, %add3A_232 : i32
      %swap3A_234 = arith.index_cast %add3A_233 : i32 to index
      %swap3A_235 = tpu.vector_load %arg10[%swap3A_234] {strides = array<i32>} : memref<16384xf32, #tpu.memory_space<vmem>>, vector<16xf32>,
      %swap3A_236 = vector.shape_cast %swap3A_235 : vector<16xf32> to vector<16xf32>
      %swap3A_237 = vector.shape_cast %scan3A_205#3 : vector<16xf32> to vector<16xf32>
      tpu.vector_store %arg10[%swap3A_234], %swap3A_237 {strides = array<i32>} : memref<16384xf32, #tpu.memory_space<vmem>>, vector<16xf32>,
      %mul3A_238 = arith.constant 128 : i32
      %mul3A_239 = arith.muli %mul3A_140, %mul3A_238 : i32
      %add3A_240 = arith.constant 64 : i32
      %add3A_241 = arith.addi %mul3A_239, %add3A_240 : i32
      %swap3A_242 = arith.index_cast %add3A_241 : i32 to index
      %swap3A_243 = tpu.vector_load %arg10[%swap3A_242] {strides = array<i32>} : memref<16384xf32, #tpu.memory_space<vmem>>, vector<16xf32>,
      %swap3A_244 = vector.shape_cast %swap3A_243 : vector<16xf32> to vector<16xf32>
      %swap3A_245 = vector.shape_cast %scan3A_205#4 : vector<16xf32> to vector<16xf32>
      tpu.vector_store %arg10[%swap3A_242], %swap3A_245 {strides = array<i32>} : memref<16384xf32, #tpu.memory_space<vmem>>, vector<16xf32>,
      %mul3A_246 = arith.constant 128 : i32
      %mul3A_247 = arith.muli %mul3A_140, %mul3A_246 : i32
      %add3A_248 = arith.constant 80 : i32
      %add3A_249 = arith.addi %mul3A_247, %add3A_248 : i32
      %swap3A_250 = arith.index_cast %add3A_249 : i32 to index
      %swap3A_251 = tpu.vector_load %arg10[%swap3A_250] {strides = array<i32>} : memref<16384xf32, #tpu.memory_space<vmem>>, vector<16xf32>,
      %swap3A_252 = vector.shape_cast %swap3A_251 : vector<16xf32> to vector<16xf32>
      %swap3A_253 = vector.shape_cast %scan3A_205#5 : vector<16xf32> to vector<16xf32>
      tpu.vector_store %arg10[%swap3A_250], %swap3A_253 {strides = array<i32>} : memref<16384xf32, #tpu.memory_space<vmem>>, vector<16xf32>,
      %mul3A_254 = arith.constant 128 : i32
      %mul3A_255 = arith.muli %mul3A_140, %mul3A_254 : i32
      %add3A_256 = arith.constant 96 : i32
      %add3A_257 = arith.addi %mul3A_255, %add3A_256 : i32
      %swap3A_258 = arith.index_cast %add3A_257 : i32 to index
      %swap3A_259 = tpu.vector_load %arg10[%swap3A_258] {strides = array<i32>} : memref<16384xf32, #tpu.memory_space<vmem>>, vector<16xf32>,
      %swap3A_260 = vector.shape_cast %swap3A_259 : vector<16xf32> to vector<16xf32>
      %swap3A_261 = vector.shape_cast %scan3A_205#6 : vector<16xf32> to vector<16xf32>
      tpu.vector_store %arg10[%swap3A_258], %swap3A_261 {strides = array<i32>} : memref<16384xf32, #tpu.memory_space<vmem>>, vector<16xf32>,
      %mul3A_262 = arith.constant 128 : i32
      %mul3A_263 = arith.muli %mul3A_140, %mul3A_262 : i32
      %add3A_264 = arith.constant 112 : i32
      %add3A_265 = arith.addi %mul3A_263, %add3A_264 : i32
      %swap3A_266 = arith.index_cast %add3A_265 : i32 to index
      %swap3A_267 = tpu.vector_load %arg10[%swap3A_266] {strides = array<i32>} : memref<16384xf32, #tpu.memory_space<vmem>>, vector<16xf32>,
      %swap3A_268 = vector.shape_cast %swap3A_267 : vector<16xf32> to vector<16xf32>
      %swap3A_269 = vector.shape_cast %scan3A_205#7 : vector<16xf32> to vector<16xf32>
      tpu.vector_store %arg10[%swap3A_266], %swap3A_269 {strides = array<i32>} : memref<16384xf32, #tpu.memory_space<vmem>>, vector<16xf32>,
      %mul3A_270 = arith.constant 200 : i32
      %mul3A_271 = arith.muli %select_n3A, %mul3A_270 : i32
      %dma_start3A_272 = arith.constant 0 : i32
      %dma_start3A_273 = arith.constant 0 : i32
      %dma_start3A_274 = tpu.memref_slice %arg8[%dma_start3A_272, %dma_start3A_273] : memref<200x128xf32, #tpu.memory_space<vmem>> -> memref<104x128xf32, #tpu.memory_space<vmem>>
      %dma_start3A_275 = tpu.memref_slice %arg7[%mul3A_271] : memref<25600xi32, #tpu.memory_space<vmem>> -> memref<104xi32, #tpu.memory_space<vmem>>
      %dma_start3A_276 = arith.constant 0 : i32
      %dma_start3A_277 = arith.constant 0 : i32
      %dma_start3A_278 = tpu.memref_slice %arg4[%dma_start3A_276, %dma_start3A_277] : memref<100000x128xf32, #tpu.memory_space<hbm>> -> memref<100000x128xf32, #tpu.memory_space<hbm>>
      tpu.enqueue_indirect_dma source(%dma_start3A_278 : memref<100000x128xf32, #tpu.memory_space<hbm>>) target(%dma_start3A_274 : memref<104x128xf32, #tpu.memory_space<vmem>>) offsets(%dma_start3A_275 : memref<104xi32, #tpu.memory_space<vmem>>) semaphore(%arg11 : memref<!tpu.dma_semaphore, #tpu.memory_space<semaphore_mem>>)
      %mul3A_279 = arith.constant 200 : i32
      %mul3A_280 = arith.muli %select_n3A, %mul3A_279 : i32
      %add3A_281 = arith.constant 104 : i32
      %add3A_282 = arith.addi %mul3A_280, %add3A_281 : i32
      %dma_start3A_283 = arith.constant 104 : i32
      %dma_start3A_284 = arith.constant 0 : i32
      %dma_start3A_285 = tpu.memref_slice %arg8[%dma_start3A_283, %dma_start3A_284] : memref<200x128xf32, #tpu.memory_space<vmem>> -> memref<96x128xf32, #tpu.memory_space<vmem>>
      %dma_start3A_286 = tpu.memref_slice %arg7[%add3A_282] : memref<25600xi32, #tpu.memory_space<vmem>> -> memref<96xi32, #tpu.memory_space<vmem>>
      %dma_start3A_287 = arith.constant 0 : i32
      %dma_start3A_288 = arith.constant 0 : i32
      %dma_start3A_289 = tpu.memref_slice %arg4[%dma_start3A_287, %dma_start3A_288] : memref<100000x128xf32, #tpu.memory_space<hbm>> -> memref<100000x128xf32, #tpu.memory_space<hbm>>
      tpu.enqueue_indirect_dma source(%dma_start3A_289 : memref<100000x128xf32, #tpu.memory_space<hbm>>) target(%dma_start3A_285 : memref<96x128xf32, #tpu.memory_space<vmem>>) offsets(%dma_start3A_286 : memref<96xi32, #tpu.memory_space<vmem>>) semaphore(%arg11 : memref<!tpu.dma_semaphore, #tpu.memory_space<semaphore_mem>>)
      %dma_wait3A_290 = arith.constant 0 : i32
      %dma_wait3A_291 = arith.constant 0 : i32
      %dma_wait3A_292 = tpu.memref_slice %arg9[%dma_wait3A_290, %dma_wait3A_291] : memref<200x128xf32, #tpu.memory_space<vmem>> -> memref<104x128xf32, #tpu.memory_space<vmem>>
      %dma_wait3A_293 = arith.constant 0 : i32
      %dma_wait3A_294 = tpu.memref_slice %arg7[%dma_wait3A_293] : memref<25600xi32, #tpu.memory_space<vmem>> -> memref<104xi32, #tpu.memory_space<vmem>>
      %dma_wait3A_295 = arith.constant 0 : i32
      %dma_wait3A_296 = arith.constant 0 : i32
      %dma_wait3A_297 = tpu.memref_slice %arg4[%dma_wait3A_295, %dma_wait3A_296] : memref<100000x128xf32, #tpu.memory_space<hbm>> -> memref<100000x128xf32, #tpu.memory_space<hbm>>
      tpu.wait_indirect_dma semaphore(%arg12 : memref<!tpu.dma_semaphore, #tpu.memory_space<semaphore_mem>>) src(%dma_wait3A_297 : memref<100000x128xf32, #tpu.memory_space<hbm>>) dst(%dma_wait3A_292 : memref<104x128xf32, #tpu.memory_space<vmem>>)
      %dma_wait3A_298 = arith.constant 104 : i32
      %dma_wait3A_299 = arith.constant 0 : i32
      %dma_wait3A_300 = tpu.memref_slice %arg9[%dma_wait3A_298, %dma_wait3A_299] : memref<200x128xf32, #tpu.memory_space<vmem>> -> memref<96x128xf32, #tpu.memory_space<vmem>>
      %dma_wait3A_301 = arith.constant 0 : i32
      %dma_wait3A_302 = tpu.memref_slice %arg7[%dma_wait3A_301] : memref<25600xi32, #tpu.memory_space<vmem>> -> memref<96xi32, #tpu.memory_space<vmem>>
      %dma_wait3A_303 = arith.constant 0 : i32
      %dma_wait3A_304 = arith.constant 0 : i32
      %dma_wait3A_305 = tpu.memref_slice %arg4[%dma_wait3A_303, %dma_wait3A_304] : memref<100000x128xf32, #tpu.memory_space<hbm>> -> memref<100000x128xf32, #tpu.memory_space<hbm>>
      tpu.wait_indirect_dma semaphore(%arg12 : memref<!tpu.dma_semaphore, #tpu.memory_space<semaphore_mem>>) src(%dma_wait3A_305 : memref<100000x128xf32, #tpu.memory_space<hbm>>) dst(%dma_wait3A_300 : memref<96x128xf32, #tpu.memory_space<vmem>>)
      %broadcast_in_dim3A_306 = arith.constant 0.000000e+00 : f32
      %broadcast_in_dim3A_307 = vector.broadcast %broadcast_in_dim3A_306 : f32 to vector<16xf32>
      %broadcast_in_dim3A_308 = arith.constant 0.000000e+00 : f32
      %broadcast_in_dim3A_309 = vector.broadcast %broadcast_in_dim3A_308 : f32 to vector<16xf32>
      %broadcast_in_dim3A_310 = arith.constant 0.000000e+00 : f32
      %broadcast_in_dim3A_311 = vector.broadcast %broadcast_in_dim3A_310 : f32 to vector<16xf32>
      %broadcast_in_dim3A_312 = arith.constant 0.000000e+00 : f32
      %broadcast_in_dim3A_313 = vector.broadcast %broadcast_in_dim3A_312 : f32 to vector<16xf32>
      %broadcast_in_dim3A_314 = arith.constant 0.000000e+00 : f32
      %broadcast_in_dim3A_315 = vector.broadcast %broadcast_in_dim3A_314 : f32 to vector<16xf32>
      %broadcast_in_dim3A_316 = arith.constant 0.000000e+00 : f32
      %broadcast_in_dim3A_317 = vector.broadcast %broadcast_in_dim3A_316 : f32 to vector<16xf32>
      %broadcast_in_dim3A_318 = arith.constant 0.000000e+00 : f32
      %broadcast_in_dim3A_319 = vector.broadcast %broadcast_in_dim3A_318 : f32 to vector<16xf32>
      %broadcast_in_dim3A_320 = arith.constant 0.000000e+00 : f32
      %broadcast_in_dim3A_321 = vector.broadcast %broadcast_in_dim3A_320 : f32 to vector<16xf32>
      %scan3A_322 = arith.constant 0 : i32
      %scan3A_323 = arith.constant 200 : i32
      %scan3A_324 = arith.addi %scan3A_322, %scan3A_323 : i32
      %scan3A_325 = arith.constant 1 : i32
      %scan3A_326:8 = scf.for %scan3A_392 = %scan3A_322 to %scan3A_324 step %scan3A_325 iter_args(%scan3A_393 = %broadcast_in_dim3A_307, %scan3A_394 = %broadcast_in_dim3A_309, %scan3A_395 = %broadcast_in_dim3A_311, %scan3A_396 = %broadcast_in_dim3A_313, %scan3A_397 = %broadcast_in_dim3A_315, %scan3A_398 = %broadcast_in_dim3A_317, %scan3A_399 = %broadcast_in_dim3A_319, %scan3A_400 = %broadcast_in_dim3A_321) -> (vector<16xf32>, vector<16xf32>, vector<16xf32>, vector<16xf32>, vector<16xf32>, vector<16xf32>, vector<16xf32>, vector<16xf32>)  : i32 {
        %get3A = arith.index_cast %scan3A_392 : i32 to index
        %get3A_401 = arith.constant 0 : index
        %get3A_402 = tpu.vector_load %arg9[%get3A, %get3A_401] {strides = array<i32>} : memref<200x128xf32, #tpu.memory_space<vmem>>, vector<1x16xf32>,
        %get3A_403 = vector.shape_cast %get3A_402 : vector<1x16xf32> to vector<16xf32>
        %add3A_404 = arith.addf %scan3A_393, %get3A_403 : vector<16xf32>
        %get3A_405 = arith.index_cast %scan3A_392 : i32 to index
        %get3A_406 = arith.constant 16 : index
        %get3A_407 = tpu.vector_load %arg9[%get3A_405, %get3A_406] {strides = array<i32>} : memref<200x128xf32, #tpu.memory_space<vmem>>, vector<1x16xf32>,
        %get3A_408 = vector.shape_cast %get3A_407 : vector<1x16xf32> to vector<16xf32>
        %add3A_409 = arith.addf %scan3A_394, %get3A_408 : vector<16xf32>
        %get3A_410 = arith.index_cast %scan3A_392 : i32 to index
        %get3A_411 = arith.constant 32 : index
        %get3A_412 = tpu.vector_load %arg9[%get3A_410, %get3A_411] {strides = array<i32>} : memref<200x128xf32, #tpu.memory_space<vmem>>, vector<1x16xf32>,
        %get3A_413 = vector.shape_cast %get3A_412 : vector<1x16xf32> to vector<16xf32>
        %add3A_414 = arith.addf %scan3A_395, %get3A_413 : vector<16xf32>
        %get3A_415 = arith.index_cast %scan3A_392 : i32 to index
        %get3A_416 = arith.constant 48 : index
        %get3A_417 = tpu.vector_load %arg9[%get3A_415, %get3A_416] {strides = array<i32>} : memref<200x128xf32, #tpu.memory_space<vmem>>, vector<1x16xf32>,
        %get3A_418 = vector.shape_cast %get3A_417 : vector<1x16xf32> to vector<16xf32>
        %add3A_419 = arith.addf %scan3A_396, %get3A_418 : vector<16xf32>
        %get3A_420 = arith.index_cast %scan3A_392 : i32 to index
        %get3A_421 = arith.constant 64 : index
        %get3A_422 = tpu.vector_load %arg9[%get3A_420, %get3A_421] {strides = array<i32>} : memref<200x128xf32, #tpu.memory_space<vmem>>, vector<1x16xf32>,
        %get3A_423 = vector.shape_cast %get3A_422 : vector<1x16xf32> to vector<16xf32>
        %add3A_424 = arith.addf %scan3A_397, %get3A_423 : vector<16xf32>
        %get3A_425 = arith.index_cast %scan3A_392 : i32 to index
        %get3A_426 = arith.constant 80 : index
        %get3A_427 = tpu.vector_load %arg9[%get3A_425, %get3A_426] {strides = array<i32>} : memref<200x128xf32, #tpu.memory_space<vmem>>, vector<1x16xf32>,
        %get3A_428 = vector.shape_cast %get3A_427 : vector<1x16xf32> to vector<16xf32>
        %add3A_429 = arith.addf %scan3A_398, %get3A_428 : vector<16xf32>
        %get3A_430 = arith.index_cast %scan3A_392 : i32 to index
        %get3A_431 = arith.constant 96 : index
        %get3A_432 = tpu.vector_load %arg9[%get3A_430, %get3A_431] {strides = array<i32>} : memref<200x128xf32, #tpu.memory_space<vmem>>, vector<1x16xf32>,
        %get3A_433 = vector.shape_cast %get3A_432 : vector<1x16xf32> to vector<16xf32>
        %add3A_434 = arith.addf %scan3A_399, %get3A_433 : vector<16xf32>
        %get3A_435 = arith.index_cast %scan3A_392 : i32 to index
        %get3A_436 = arith.constant 112 : index
        %get3A_437 = tpu.vector_load %arg9[%get3A_435, %get3A_436] {strides = array<i32>} : memref<200x128xf32, #tpu.memory_space<vmem>>, vector<1x16xf32>,
        %get3A_438 = vector.shape_cast %get3A_437 : vector<1x16xf32> to vector<16xf32>
        %add3A_439 = arith.addf %scan3A_400, %get3A_438 : vector<16xf32>
        scf.yield %add3A_404, %add3A_409, %add3A_414, %add3A_419, %add3A_424, %add3A_429, %add3A_434, %add3A_439 : vector<16xf32>, vector<16xf32>, vector<16xf32>, vector<16xf32>, vector<16xf32>, vector<16xf32>, vector<16xf32>, vector<16xf32>
      }
      %scan3A_327 = arith.constant 200 : i32
      %mul3A_328 = arith.constant 128 : i32
      %mul3A_329 = arith.muli %add3A_144, %mul3A_328 : i32
      %add3A_330 = arith.constant 0 : i32
      %add3A_331 = arith.addi %mul3A_329, %add3A_330 : i32
      %swap3A_332 = arith.index_cast %add3A_331 : i32 to index
      %swap3A_333 = tpu.vector_load %arg10[%swap3A_332] {strides = array<i32>} : memref<16384xf32, #tpu.memory_space<vmem>>, vector<16xf32>,
      %swap3A_334 = vector.shape_cast %swap3A_333 : vector<16xf32> to vector<16xf32>
      %swap3A_335 = vector.shape_cast %scan3A_326#0 : vector<16xf32> to vector<16xf32>
      tpu.vector_store %arg10[%swap3A_332], %swap3A_335 {strides = array<i32>} : memref<16384xf32, #tpu.memory_space<vmem>>, vector<16xf32>,
      %mul3A_336 = arith.constant 128 : i32
      %mul3A_337 = arith.muli %add3A_144, %mul3A_336 : i32
      %add3A_338 = arith.constant 16 : i32
      %add3A_339 = arith.addi %mul3A_337, %add3A_338 : i32
      %swap3A_340 = arith.index_cast %add3A_339 : i32 to index
      %swap3A_341 = tpu.vector_load %arg10[%swap3A_340] {strides = array<i32>} : memref<16384xf32, #tpu.memory_space<vmem>>, vector<16xf32>,
      %swap3A_342 = vector.shape_cast %swap3A_341 : vector<16xf32> to vector<16xf32>
      %swap3A_343 = vector.shape_cast %scan3A_326#1 : vector<16xf32> to vector<16xf32>
      tpu.vector_store %arg10[%swap3A_340], %swap3A_343 {strides = array<i32>} : memref<16384xf32, #tpu.memory_space<vmem>>, vector<16xf32>,
      %mul3A_344 = arith.constant 128 : i32
      %mul3A_345 = arith.muli %add3A_144, %mul3A_344 : i32
      %add3A_346 = arith.constant 32 : i32
      %add3A_347 = arith.addi %mul3A_345, %add3A_346 : i32
      %swap3A_348 = arith.index_cast %add3A_347 : i32 to index
      %swap3A_349 = tpu.vector_load %arg10[%swap3A_348] {strides = array<i32>} : memref<16384xf32, #tpu.memory_space<vmem>>, vector<16xf32>,
      %swap3A_350 = vector.shape_cast %swap3A_349 : vector<16xf32> to vector<16xf32>
      %swap3A_351 = vector.shape_cast %scan3A_326#2 : vector<16xf32> to vector<16xf32>
      tpu.vector_store %arg10[%swap3A_348], %swap3A_351 {strides = array<i32>} : memref<16384xf32, #tpu.memory_space<vmem>>, vector<16xf32>,
      %mul3A_352 = arith.constant 128 : i32
      %mul3A_353 = arith.muli %add3A_144, %mul3A_352 : i32
      %add3A_354 = arith.constant 48 : i32
      %add3A_355 = arith.addi %mul3A_353, %add3A_354 : i32
      %swap3A_356 = arith.index_cast %add3A_355 : i32 to index
      %swap3A_357 = tpu.vector_load %arg10[%swap3A_356] {strides = array<i32>} : memref<16384xf32, #tpu.memory_space<vmem>>, vector<16xf32>,
      %swap3A_358 = vector.shape_cast %swap3A_357 : vector<16xf32> to vector<16xf32>
      %swap3A_359 = vector.shape_cast %scan3A_326#3 : vector<16xf32> to vector<16xf32>
      tpu.vector_store %arg10[%swap3A_356], %swap3A_359 {strides = array<i32>} : memref<16384xf32, #tpu.memory_space<vmem>>, vector<16xf32>,
      %mul3A_360 = arith.constant 128 : i32
      %mul3A_361 = arith.muli %add3A_144, %mul3A_360 : i32
      %add3A_362 = arith.constant 64 : i32
      %add3A_363 = arith.addi %mul3A_361, %add3A_362 : i32
      %swap3A_364 = arith.index_cast %add3A_363 : i32 to index
      %swap3A_365 = tpu.vector_load %arg10[%swap3A_364] {strides = array<i32>} : memref<16384xf32, #tpu.memory_space<vmem>>, vector<16xf32>,
      %swap3A_366 = vector.shape_cast %swap3A_365 : vector<16xf32> to vector<16xf32>
      %swap3A_367 = vector.shape_cast %scan3A_326#4 : vector<16xf32> to vector<16xf32>
      tpu.vector_store %arg10[%swap3A_364], %swap3A_367 {strides = array<i32>} : memref<16384xf32, #tpu.memory_space<vmem>>, vector<16xf32>,
      %mul3A_368 = arith.constant 128 : i32
      %mul3A_369 = arith.muli %add3A_144, %mul3A_368 : i32
      %add3A_370 = arith.constant 80 : i32
      %add3A_371 = arith.addi %mul3A_369, %add3A_370 : i32
      %swap3A_372 = arith.index_cast %add3A_371 : i32 to index
      %swap3A_373 = tpu.vector_load %arg10[%swap3A_372] {strides = array<i32>} : memref<16384xf32, #tpu.memory_space<vmem>>, vector<16xf32>,
      %swap3A_374 = vector.shape_cast %swap3A_373 : vector<16xf32> to vector<16xf32>
      %swap3A_375 = vector.shape_cast %scan3A_326#5 : vector<16xf32> to vector<16xf32>
      tpu.vector_store %arg10[%swap3A_372], %swap3A_375 {strides = array<i32>} : memref<16384xf32, #tpu.memory_space<vmem>>, vector<16xf32>,
      %mul3A_376 = arith.constant 128 : i32
      %mul3A_377 = arith.muli %add3A_144, %mul3A_376 : i32
      %add3A_378 = arith.constant 96 : i32
      %add3A_379 = arith.addi %mul3A_377, %add3A_378 : i32
      %swap3A_380 = arith.index_cast %add3A_379 : i32 to index
      %swap3A_381 = tpu.vector_load %arg10[%swap3A_380] {strides = array<i32>} : memref<16384xf32, #tpu.memory_space<vmem>>, vector<16xf32>,
      %swap3A_382 = vector.shape_cast %swap3A_381 : vector<16xf32> to vector<16xf32>
      %swap3A_383 = vector.shape_cast %scan3A_326#6 : vector<16xf32> to vector<16xf32>
      tpu.vector_store %arg10[%swap3A_380], %swap3A_383 {strides = array<i32>} : memref<16384xf32, #tpu.memory_space<vmem>>, vector<16xf32>,
      %mul3A_384 = arith.constant 128 : i32
      %mul3A_385 = arith.muli %add3A_144, %mul3A_384 : i32
      %add3A_386 = arith.constant 112 : i32
      %add3A_387 = arith.addi %mul3A_385, %add3A_386 : i32
      %swap3A_388 = arith.index_cast %add3A_387 : i32 to index
      %swap3A_389 = tpu.vector_load %arg10[%swap3A_388] {strides = array<i32>} : memref<16384xf32, #tpu.memory_space<vmem>>, vector<16xf32>,
      %swap3A_390 = vector.shape_cast %swap3A_389 : vector<16xf32> to vector<16xf32>
      %swap3A_391 = vector.shape_cast %scan3A_326#7 : vector<16xf32> to vector<16xf32>
      tpu.vector_store %arg10[%swap3A_388], %swap3A_391 {strides = array<i32>} : memref<16384xf32, #tpu.memory_space<vmem>>, vector<16xf32>,
    }
    %scan3A_71 = arith.constant 64 : i32
    %dma_wait3A_72 = arith.constant 0 : i32
    %dma_wait3A_73 = arith.constant 0 : i32
    %dma_wait3A_74 = tpu.memref_slice %arg8[%dma_wait3A_72, %dma_wait3A_73] : memref<200x128xf32, #tpu.memory_space<vmem>> -> memref<104x128xf32, #tpu.memory_space<vmem>>
    %dma_wait3A_75 = arith.constant 0 : i32
    %dma_wait3A_76 = tpu.memref_slice %arg7[%dma_wait3A_75] : memref<25600xi32, #tpu.memory_space<vmem>> -> memref<104xi32, #tpu.memory_space<vmem>>
    %dma_wait3A_77 = arith.constant 0 : i32
    %dma_wait3A_78 = arith.constant 0 : i32
    %dma_wait3A_79 = tpu.memref_slice %arg4[%dma_wait3A_77, %dma_wait3A_78] : memref<100000x128xf32, #tpu.memory_space<hbm>> -> memref<100000x128xf32, #tpu.memory_space<hbm>>
    tpu.wait_indirect_dma semaphore(%arg11 : memref<!tpu.dma_semaphore, #tpu.memory_space<semaphore_mem>>) src(%dma_wait3A_79 : memref<100000x128xf32, #tpu.memory_space<hbm>>) dst(%dma_wait3A_74 : memref<104x128xf32, #tpu.memory_space<vmem>>)
    %dma_wait3A_80 = arith.constant 104 : i32
    %dma_wait3A_81 = arith.constant 0 : i32
    %dma_wait3A_82 = tpu.memref_slice %arg8[%dma_wait3A_80, %dma_wait3A_81] : memref<200x128xf32, #tpu.memory_space<vmem>> -> memref<96x128xf32, #tpu.memory_space<vmem>>
    %dma_wait3A_83 = arith.constant 0 : i32
    %dma_wait3A_84 = tpu.memref_slice %arg7[%dma_wait3A_83] : memref<25600xi32, #tpu.memory_space<vmem>> -> memref<96xi32, #tpu.memory_space<vmem>>
    %dma_wait3A_85 = arith.constant 0 : i32
    %dma_wait3A_86 = arith.constant 0 : i32
    %dma_wait3A_87 = tpu.memref_slice %arg4[%dma_wait3A_85, %dma_wait3A_86] : memref<100000x128xf32, #tpu.memory_space<hbm>> -> memref<100000x128xf32, #tpu.memory_space<hbm>>
    tpu.wait_indirect_dma semaphore(%arg11 : memref<!tpu.dma_semaphore, #tpu.memory_space<semaphore_mem>>) src(%dma_wait3A_87 : memref<100000x128xf32, #tpu.memory_space<hbm>>) dst(%dma_wait3A_82 : memref<96x128xf32, #tpu.memory_space<vmem>>)
    %add3A_88 = arith.constant 4096 : i32
    %add3A_89 = arith.addi %add3A_88, %mul3A_2 : i32
    %mul3A_90 = arith.constant 128 : i32
    %mul3A_91 = arith.muli %add3A_89, %mul3A_90 : i32
    "tpu.region"() ({
      %run_scoped3A = tpu.sem_alloc : memref<!tpu.dma_semaphore, #tpu.memory_space<semaphore_mem>>
      %dma_start3A_138 = tpu.memref_slice %arg6[%mul3A_91] : memref<1572864xf32, #tpu.memory_space<hbm>> -> memref<16384xf32, #tpu.memory_space<hbm>>
      %dma_start3A_139 = tpu.memref_slice %arg6[%mul3A_91] : memref<1572864xf32, #tpu.memory_space<hbm>> -> memref<16384xf32, #tpu.memory_space<hbm>>
      tpu.enqueue_dma source(%arg10 : memref<16384xf32, #tpu.memory_space<vmem>>) target(%dma_start3A_139 : memref<16384xf32, #tpu.memory_space<hbm>>) target_semaphore(%run_scoped3A : memref<!tpu.dma_semaphore, #tpu.memory_space<semaphore_mem>>)
      %dma_wait3A_140 = tpu.memref_slice %arg6[%mul3A_91] : memref<1572864xf32, #tpu.memory_space<hbm>> -> memref<16384xf32, #tpu.memory_space<hbm>>
      %dma_wait3A_141 = tpu.memref_slice %arg6[%mul3A_91] : memref<1572864xf32, #tpu.memory_space<hbm>> -> memref<16384xf32, #tpu.memory_space<hbm>>
      tpu.wait_dma2 semaphore(%run_scoped3A : memref<!tpu.dma_semaphore, #tpu.memory_space<semaphore_mem>>) src(%arg10 : memref<16384xf32, #tpu.memory_space<vmem>>) dst(%dma_wait3A_141 : memref<16384xf32, #tpu.memory_space<hbm>>)
      tpu.yield
    }) : () -> ()
    %mul3A_92 = arith.constant 200 : i32
    %mul3A_93 = arith.muli %mul3A_2, %mul3A_92 : i32
    %add3A_94 = arith.constant 2457600 : i32
    %add3A_95 = arith.addi %add3A_94, %mul3A_93 : i32
    "tpu.region"() ({
      %run_scoped3A = tpu.sem_alloc : memref<!tpu.dma_semaphore, #tpu.memory_space<semaphore_mem>>
      %dma_start3A_138 = tpu.memref_slice %arg2[%add3A_95] : memref<3276800xi32, #tpu.memory_space<hbm>> -> memref<25600xi32, #tpu.memory_space<hbm>>
      %dma_start3A_139 = tpu.memref_slice %arg2[%add3A_95] : memref<3276800xi32, #tpu.memory_space<hbm>> -> memref<25600xi32, #tpu.memory_space<hbm>>
      tpu.enqueue_dma source(%dma_start3A_139 : memref<25600xi32, #tpu.memory_space<hbm>>) target(%arg7 : memref<25600xi32, #tpu.memory_space<vmem>>) target_semaphore(%run_scoped3A : memref<!tpu.dma_semaphore, #tpu.memory_space<semaphore_mem>>)
      %dma_wait3A_140 = tpu.memref_slice %arg2[%add3A_95] : memref<3276800xi32, #tpu.memory_space<hbm>> -> memref<25600xi32, #tpu.memory_space<hbm>>
      %dma_wait3A_141 = tpu.memref_slice %arg2[%add3A_95] : memref<3276800xi32, #tpu.memory_space<hbm>> -> memref<25600xi32, #tpu.memory_space<hbm>>
      tpu.wait_dma2 semaphore(%run_scoped3A : memref<!tpu.dma_semaphore, #tpu.memory_space<semaphore_mem>>) src(%dma_wait3A_141 : memref<25600xi32, #tpu.memory_space<hbm>>) dst(%arg7 : memref<25600xi32, #tpu.memory_space<vmem>>)
      tpu.yield
    }) : () -> ()
    %dma_start3A_96 = arith.constant 0 : i32
    %dma_start3A_97 = arith.constant 0 : i32
    %dma_start3A_98 = tpu.memref_slice %arg8[%dma_start3A_96, %dma_start3A_97] : memref<200x128xf32, #tpu.memory_space<vmem>> -> memref<104x128xf32, #tpu.memory_space<vmem>>
    %dma_start3A_99 = arith.constant 0 : i32
    %dma_start3A_100 = tpu.memref_slice %arg7[%dma_start3A_99] : memref<25600xi32, #tpu.memory_space<vmem>> -> memref<104xi32, #tpu.memory_space<vmem>>
    %dma_start3A_101 = arith.constant 0 : i32
    %dma_start3A_102 = arith.constant 0 : i32
    %dma_start3A_103 = tpu.memref_slice %arg5[%dma_start3A_101, %dma_start3A_102] : memref<100000x128xf32, #tpu.memory_space<hbm>> -> memref<100000x128xf32, #tpu.memory_space<hbm>>
    tpu.enqueue_indirect_dma source(%dma_start3A_103 : memref<100000x128xf32, #tpu.memory_space<hbm>>) target(%dma_start3A_98 : memref<104x128xf32, #tpu.memory_space<vmem>>) offsets(%dma_start3A_100 : memref<104xi32, #tpu.memory_space<vmem>>) semaphore(%arg11 : memref<!tpu.dma_semaphore, #tpu.memory_space<semaphore_mem>>)
    %dma_start3A_104 = arith.constant 104 : i32
    %dma_start3A_105 = arith.constant 0 : i32
    %dma_start3A_106 = tpu.memref_slice %arg8[%dma_start3A_104, %dma_start3A_105] : memref<200x128xf32, #tpu.memory_space<vmem>> -> memref<96x128xf32, #tpu.memory_space<vmem>>
    %dma_start3A_107 = arith.constant 104 : i32
    %dma_start3A_108 = tpu.memref_slice %arg7[%dma_start3A_107] : memref<25600xi32, #tpu.memory_space<vmem>> -> memref<96xi32, #tpu.memory_space<vmem>>
    %dma_start3A_109 = arith.constant 0 : i32
    %dma_start3A_110 = arith.constant 0 : i32
    %dma_start3A_111 = tpu.memref_slice %arg5[%dma_start3A_109, %dma_start3A_110] : memref<100000x128xf32, #tpu.memory_space<hbm>> -> memref<100000x128xf32, #tpu.memory_space<hbm>>
    tpu.enqueue_indirect_dma source(%dma_start3A_111 : memref<100000x128xf32, #tpu.memory_space<hbm>>) target(%dma_start3A_106 : memref<96x128xf32, #tpu.memory_space<vmem>>) offsets(%dma_start3A_108 : memref<96xi32, #tpu.memory_space<vmem>>) semaphore(%arg11 : memref<!tpu.dma_semaphore, #tpu.memory_space<semaphore_mem>>)
    %scan3A_112 = arith.constant 0 : i32
    %scan3A_113 = arith.constant 0 : i32
    %scan3A_114 = arith.constant 64 : i32
    %scan3A_115 = arith.addi %scan3A_113, %scan3A_114 : i32
    %scan3A_116 = arith.constant 1 : i32
    scf.for %scan3A_138 = %scan3A_113 to %scan3A_115 step %scan3A_116  : i32 {
      %mul3A_139 = arith.constant 2 : i32
      %mul3A_140 = arith.muli %mul3A_139, %scan3A_138 : i32
      %mul3A_141 = arith.constant 2 : i32
      %mul3A_142 = arith.muli %mul3A_141, %scan3A_138 : i32
      %add3A_143 = arith.constant 1 : i32
      %add3A_144 = arith.addi %mul3A_142, %add3A_143 : i32
      %add3A_145 = arith.constant 2 : i32
      %add3A_146 = arith.addi %mul3A_140, %add3A_145 : i32
      %ge3A = arith.constant 128 : i32
      %ge3A_147 = arith.cmpi sge, %add3A_146, %ge3A : i32
      %add3A_148 = arith.constant 2 : i32
      %add3A_149 = arith.addi %mul3A_140, %add3A_148 : i32
      %jit3A = arith.constant 0 : i32
      %select_n3A = arith.select %ge3A_147, %jit3A, %add3A_149 : i32
      %mul3A_150 = arith.constant 200 : i32
      %mul3A_151 = arith.muli %add3A_144, %mul3A_150 : i32
      %dma_start3A_152 = arith.constant 0 : i32
      %dma_start3A_153 = arith.constant 0 : i32
      %dma_start3A_154 = tpu.memref_slice %arg9[%dma_start3A_152, %dma_start3A_153] : memref<200x128xf32, #tpu.memory_space<vmem>> -> memref<104x128xf32, #tpu.memory_space<vmem>>
      %dma_start3A_155 = tpu.memref_slice %arg7[%mul3A_151] : memref<25600xi32, #tpu.memory_space<vmem>> -> memref<104xi32, #tpu.memory_space<vmem>>
      %dma_start3A_156 = arith.constant 0 : i32
      %dma_start3A_157 = arith.constant 0 : i32
      %dma_start3A_158 = tpu.memref_slice %arg5[%dma_start3A_156, %dma_start3A_157] : memref<100000x128xf32, #tpu.memory_space<hbm>> -> memref<100000x128xf32, #tpu.memory_space<hbm>>
      tpu.enqueue_indirect_dma source(%dma_start3A_158 : memref<100000x128xf32, #tpu.memory_space<hbm>>) target(%dma_start3A_154 : memref<104x128xf32, #tpu.memory_space<vmem>>) offsets(%dma_start3A_155 : memref<104xi32, #tpu.memory_space<vmem>>) semaphore(%arg12 : memref<!tpu.dma_semaphore, #tpu.memory_space<semaphore_mem>>)
      %mul3A_159 = arith.constant 200 : i32
      %mul3A_160 = arith.muli %add3A_144, %mul3A_159 : i32
      %add3A_161 = arith.constant 104 : i32
      %add3A_162 = arith.addi %mul3A_160, %add3A_161 : i32
      %dma_start3A_163 = arith.constant 104 : i32
      %dma_start3A_164 = arith.constant 0 : i32
      %dma_start3A_165 = tpu.memref_slice %arg9[%dma_start3A_163, %dma_start3A_164] : memref<200x128xf32, #tpu.memory_space<vmem>> -> memref<96x128xf32, #tpu.memory_space<vmem>>
      %dma_start3A_166 = tpu.memref_slice %arg7[%add3A_162] : memref<25600xi32, #tpu.memory_space<vmem>> -> memref<96xi32, #tpu.memory_space<vmem>>
      %dma_start3A_167 = arith.constant 0 : i32
      %dma_start3A_168 = arith.constant 0 : i32
      %dma_start3A_169 = tpu.memref_slice %arg5[%dma_start3A_167, %dma_start3A_168] : memref<100000x128xf32, #tpu.memory_space<hbm>> -> memref<100000x128xf32, #tpu.memory_space<hbm>>
      tpu.enqueue_indirect_dma source(%dma_start3A_169 : memref<100000x128xf32, #tpu.memory_space<hbm>>) target(%dma_start3A_165 : memref<96x128xf32, #tpu.memory_space<vmem>>) offsets(%dma_start3A_166 : memref<96xi32, #tpu.memory_space<vmem>>) semaphore(%arg12 : memref<!tpu.dma_semaphore, #tpu.memory_space<semaphore_mem>>)
      %dma_wait3A_170 = arith.constant 0 : i32
      %dma_wait3A_171 = arith.constant 0 : i32
      %dma_wait3A_172 = tpu.memref_slice %arg8[%dma_wait3A_170, %dma_wait3A_171] : memref<200x128xf32, #tpu.memory_space<vmem>> -> memref<104x128xf32, #tpu.memory_space<vmem>>
      %dma_wait3A_173 = arith.constant 0 : i32
      %dma_wait3A_174 = tpu.memref_slice %arg7[%dma_wait3A_173] : memref<25600xi32, #tpu.memory_space<vmem>> -> memref<104xi32, #tpu.memory_space<vmem>>
      %dma_wait3A_175 = arith.constant 0 : i32
      %dma_wait3A_176 = arith.constant 0 : i32
      %dma_wait3A_177 = tpu.memref_slice %arg5[%dma_wait3A_175, %dma_wait3A_176] : memref<100000x128xf32, #tpu.memory_space<hbm>> -> memref<100000x128xf32, #tpu.memory_space<hbm>>
      tpu.wait_indirect_dma semaphore(%arg11 : memref<!tpu.dma_semaphore, #tpu.memory_space<semaphore_mem>>) src(%dma_wait3A_177 : memref<100000x128xf32, #tpu.memory_space<hbm>>) dst(%dma_wait3A_172 : memref<104x128xf32, #tpu.memory_space<vmem>>)
      %dma_wait3A_178 = arith.constant 104 : i32
      %dma_wait3A_179 = arith.constant 0 : i32
      %dma_wait3A_180 = tpu.memref_slice %arg8[%dma_wait3A_178, %dma_wait3A_179] : memref<200x128xf32, #tpu.memory_space<vmem>> -> memref<96x128xf32, #tpu.memory_space<vmem>>
      %dma_wait3A_181 = arith.constant 0 : i32
      %dma_wait3A_182 = tpu.memref_slice %arg7[%dma_wait3A_181] : memref<25600xi32, #tpu.memory_space<vmem>> -> memref<96xi32, #tpu.memory_space<vmem>>
      %dma_wait3A_183 = arith.constant 0 : i32
      %dma_wait3A_184 = arith.constant 0 : i32
      %dma_wait3A_185 = tpu.memref_slice %arg5[%dma_wait3A_183, %dma_wait3A_184] : memref<100000x128xf32, #tpu.memory_space<hbm>> -> memref<100000x128xf32, #tpu.memory_space<hbm>>
      tpu.wait_indirect_dma semaphore(%arg11 : memref<!tpu.dma_semaphore, #tpu.memory_space<semaphore_mem>>) src(%dma_wait3A_185 : memref<100000x128xf32, #tpu.memory_space<hbm>>) dst(%dma_wait3A_180 : memref<96x128xf32, #tpu.memory_space<vmem>>)
      %broadcast_in_dim3A = arith.constant 0.000000e+00 : f32
      %broadcast_in_dim3A_186 = vector.broadcast %broadcast_in_dim3A : f32 to vector<16xf32>
      %broadcast_in_dim3A_187 = arith.constant 0.000000e+00 : f32
      %broadcast_in_dim3A_188 = vector.broadcast %broadcast_in_dim3A_187 : f32 to vector<16xf32>
      %broadcast_in_dim3A_189 = arith.constant 0.000000e+00 : f32
      %broadcast_in_dim3A_190 = vector.broadcast %broadcast_in_dim3A_189 : f32 to vector<16xf32>
      %broadcast_in_dim3A_191 = arith.constant 0.000000e+00 : f32
      %broadcast_in_dim3A_192 = vector.broadcast %broadcast_in_dim3A_191 : f32 to vector<16xf32>
      %broadcast_in_dim3A_193 = arith.constant 0.000000e+00 : f32
      %broadcast_in_dim3A_194 = vector.broadcast %broadcast_in_dim3A_193 : f32 to vector<16xf32>
      %broadcast_in_dim3A_195 = arith.constant 0.000000e+00 : f32
      %broadcast_in_dim3A_196 = vector.broadcast %broadcast_in_dim3A_195 : f32 to vector<16xf32>
      %broadcast_in_dim3A_197 = arith.constant 0.000000e+00 : f32
      %broadcast_in_dim3A_198 = vector.broadcast %broadcast_in_dim3A_197 : f32 to vector<16xf32>
      %broadcast_in_dim3A_199 = arith.constant 0.000000e+00 : f32
      %broadcast_in_dim3A_200 = vector.broadcast %broadcast_in_dim3A_199 : f32 to vector<16xf32>
      %scan3A_201 = arith.constant 0 : i32
      %scan3A_202 = arith.constant 200 : i32
      %scan3A_203 = arith.addi %scan3A_201, %scan3A_202 : i32
      %scan3A_204 = arith.constant 1 : i32
      %scan3A_205:8 = scf.for %scan3A_392 = %scan3A_201 to %scan3A_203 step %scan3A_204 iter_args(%scan3A_393 = %broadcast_in_dim3A_186, %scan3A_394 = %broadcast_in_dim3A_188, %scan3A_395 = %broadcast_in_dim3A_190, %scan3A_396 = %broadcast_in_dim3A_192, %scan3A_397 = %broadcast_in_dim3A_194, %scan3A_398 = %broadcast_in_dim3A_196, %scan3A_399 = %broadcast_in_dim3A_198, %scan3A_400 = %broadcast_in_dim3A_200) -> (vector<16xf32>, vector<16xf32>, vector<16xf32>, vector<16xf32>, vector<16xf32>, vector<16xf32>, vector<16xf32>, vector<16xf32>)  : i32 {
        %get3A = arith.index_cast %scan3A_392 : i32 to index
        %get3A_401 = arith.constant 0 : index
        %get3A_402 = tpu.vector_load %arg8[%get3A, %get3A_401] {strides = array<i32>} : memref<200x128xf32, #tpu.memory_space<vmem>>, vector<1x16xf32>,
        %get3A_403 = vector.shape_cast %get3A_402 : vector<1x16xf32> to vector<16xf32>
        %add3A_404 = arith.addf %scan3A_393, %get3A_403 : vector<16xf32>
        %get3A_405 = arith.index_cast %scan3A_392 : i32 to index
        %get3A_406 = arith.constant 16 : index
        %get3A_407 = tpu.vector_load %arg8[%get3A_405, %get3A_406] {strides = array<i32>} : memref<200x128xf32, #tpu.memory_space<vmem>>, vector<1x16xf32>,
        %get3A_408 = vector.shape_cast %get3A_407 : vector<1x16xf32> to vector<16xf32>
        %add3A_409 = arith.addf %scan3A_394, %get3A_408 : vector<16xf32>
        %get3A_410 = arith.index_cast %scan3A_392 : i32 to index
        %get3A_411 = arith.constant 32 : index
        %get3A_412 = tpu.vector_load %arg8[%get3A_410, %get3A_411] {strides = array<i32>} : memref<200x128xf32, #tpu.memory_space<vmem>>, vector<1x16xf32>,
        %get3A_413 = vector.shape_cast %get3A_412 : vector<1x16xf32> to vector<16xf32>
        %add3A_414 = arith.addf %scan3A_395, %get3A_413 : vector<16xf32>
        %get3A_415 = arith.index_cast %scan3A_392 : i32 to index
        %get3A_416 = arith.constant 48 : index
        %get3A_417 = tpu.vector_load %arg8[%get3A_415, %get3A_416] {strides = array<i32>} : memref<200x128xf32, #tpu.memory_space<vmem>>, vector<1x16xf32>,
        %get3A_418 = vector.shape_cast %get3A_417 : vector<1x16xf32> to vector<16xf32>
        %add3A_419 = arith.addf %scan3A_396, %get3A_418 : vector<16xf32>
        %get3A_420 = arith.index_cast %scan3A_392 : i32 to index
        %get3A_421 = arith.constant 64 : index
        %get3A_422 = tpu.vector_load %arg8[%get3A_420, %get3A_421] {strides = array<i32>} : memref<200x128xf32, #tpu.memory_space<vmem>>, vector<1x16xf32>,
        %get3A_423 = vector.shape_cast %get3A_422 : vector<1x16xf32> to vector<16xf32>
        %add3A_424 = arith.addf %scan3A_397, %get3A_423 : vector<16xf32>
        %get3A_425 = arith.index_cast %scan3A_392 : i32 to index
        %get3A_426 = arith.constant 80 : index
        %get3A_427 = tpu.vector_load %arg8[%get3A_425, %get3A_426] {strides = array<i32>} : memref<200x128xf32, #tpu.memory_space<vmem>>, vector<1x16xf32>,
        %get3A_428 = vector.shape_cast %get3A_427 : vector<1x16xf32> to vector<16xf32>
        %add3A_429 = arith.addf %scan3A_398, %get3A_428 : vector<16xf32>
        %get3A_430 = arith.index_cast %scan3A_392 : i32 to index
        %get3A_431 = arith.constant 96 : index
        %get3A_432 = tpu.vector_load %arg8[%get3A_430, %get3A_431] {strides = array<i32>} : memref<200x128xf32, #tpu.memory_space<vmem>>, vector<1x16xf32>,
        %get3A_433 = vector.shape_cast %get3A_432 : vector<1x16xf32> to vector<16xf32>
        %add3A_434 = arith.addf %scan3A_399, %get3A_433 : vector<16xf32>
        %get3A_435 = arith.index_cast %scan3A_392 : i32 to index
        %get3A_436 = arith.constant 112 : index
        %get3A_437 = tpu.vector_load %arg8[%get3A_435, %get3A_436] {strides = array<i32>} : memref<200x128xf32, #tpu.memory_space<vmem>>, vector<1x16xf32>,
        %get3A_438 = vector.shape_cast %get3A_437 : vector<1x16xf32> to vector<16xf32>
        %add3A_439 = arith.addf %scan3A_400, %get3A_438 : vector<16xf32>
        scf.yield %add3A_404, %add3A_409, %add3A_414, %add3A_419, %add3A_424, %add3A_429, %add3A_434, %add3A_439 : vector<16xf32>, vector<16xf32>, vector<16xf32>, vector<16xf32>, vector<16xf32>, vector<16xf32>, vector<16xf32>, vector<16xf32>
      }
      %scan3A_206 = arith.constant 200 : i32
      %mul3A_207 = arith.constant 128 : i32
      %mul3A_208 = arith.muli %mul3A_140, %mul3A_207 : i32
      %add3A_209 = arith.constant 0 : i32
      %add3A_210 = arith.addi %mul3A_208, %add3A_209 : i32
      %swap3A = arith.index_cast %add3A_210 : i32 to index
      %swap3A_211 = tpu.vector_load %arg10[%swap3A] {strides = array<i32>} : memref<16384xf32, #tpu.memory_space<vmem>>, vector<16xf32>,
      %swap3A_212 = vector.shape_cast %swap3A_211 : vector<16xf32> to vector<16xf32>
      %swap3A_213 = vector.shape_cast %scan3A_205#0 : vector<16xf32> to vector<16xf32>
      tpu.vector_store %arg10[%swap3A], %swap3A_213 {strides = array<i32>} : memref<16384xf32, #tpu.memory_space<vmem>>, vector<16xf32>,
      %mul3A_214 = arith.constant 128 : i32
      %mul3A_215 = arith.muli %mul3A_140, %mul3A_214 : i32
      %add3A_216 = arith.constant 16 : i32
      %add3A_217 = arith.addi %mul3A_215, %add3A_216 : i32
      %swap3A_218 = arith.index_cast %add3A_217 : i32 to index
      %swap3A_219 = tpu.vector_load %arg10[%swap3A_218] {strides = array<i32>} : memref<16384xf32, #tpu.memory_space<vmem>>, vector<16xf32>,
      %swap3A_220 = vector.shape_cast %swap3A_219 : vector<16xf32> to vector<16xf32>
      %swap3A_221 = vector.shape_cast %scan3A_205#1 : vector<16xf32> to vector<16xf32>
      tpu.vector_store %arg10[%swap3A_218], %swap3A_221 {strides = array<i32>} : memref<16384xf32, #tpu.memory_space<vmem>>, vector<16xf32>,
      %mul3A_222 = arith.constant 128 : i32
      %mul3A_223 = arith.muli %mul3A_140, %mul3A_222 : i32
      %add3A_224 = arith.constant 32 : i32
      %add3A_225 = arith.addi %mul3A_223, %add3A_224 : i32
      %swap3A_226 = arith.index_cast %add3A_225 : i32 to index
      %swap3A_227 = tpu.vector_load %arg10[%swap3A_226] {strides = array<i32>} : memref<16384xf32, #tpu.memory_space<vmem>>, vector<16xf32>,
      %swap3A_228 = vector.shape_cast %swap3A_227 : vector<16xf32> to vector<16xf32>
      %swap3A_229 = vector.shape_cast %scan3A_205#2 : vector<16xf32> to vector<16xf32>
      tpu.vector_store %arg10[%swap3A_226], %swap3A_229 {strides = array<i32>} : memref<16384xf32, #tpu.memory_space<vmem>>, vector<16xf32>,
      %mul3A_230 = arith.constant 128 : i32
      %mul3A_231 = arith.muli %mul3A_140, %mul3A_230 : i32
      %add3A_232 = arith.constant 48 : i32
      %add3A_233 = arith.addi %mul3A_231, %add3A_232 : i32
      %swap3A_234 = arith.index_cast %add3A_233 : i32 to index
      %swap3A_235 = tpu.vector_load %arg10[%swap3A_234] {strides = array<i32>} : memref<16384xf32, #tpu.memory_space<vmem>>, vector<16xf32>,
      %swap3A_236 = vector.shape_cast %swap3A_235 : vector<16xf32> to vector<16xf32>
      %swap3A_237 = vector.shape_cast %scan3A_205#3 : vector<16xf32> to vector<16xf32>
      tpu.vector_store %arg10[%swap3A_234], %swap3A_237 {strides = array<i32>} : memref<16384xf32, #tpu.memory_space<vmem>>, vector<16xf32>,
      %mul3A_238 = arith.constant 128 : i32
      %mul3A_239 = arith.muli %mul3A_140, %mul3A_238 : i32
      %add3A_240 = arith.constant 64 : i32
      %add3A_241 = arith.addi %mul3A_239, %add3A_240 : i32
      %swap3A_242 = arith.index_cast %add3A_241 : i32 to index
      %swap3A_243 = tpu.vector_load %arg10[%swap3A_242] {strides = array<i32>} : memref<16384xf32, #tpu.memory_space<vmem>>, vector<16xf32>,
      %swap3A_244 = vector.shape_cast %swap3A_243 : vector<16xf32> to vector<16xf32>
      %swap3A_245 = vector.shape_cast %scan3A_205#4 : vector<16xf32> to vector<16xf32>
      tpu.vector_store %arg10[%swap3A_242], %swap3A_245 {strides = array<i32>} : memref<16384xf32, #tpu.memory_space<vmem>>, vector<16xf32>,
      %mul3A_246 = arith.constant 128 : i32
      %mul3A_247 = arith.muli %mul3A_140, %mul3A_246 : i32
      %add3A_248 = arith.constant 80 : i32
      %add3A_249 = arith.addi %mul3A_247, %add3A_248 : i32
      %swap3A_250 = arith.index_cast %add3A_249 : i32 to index
      %swap3A_251 = tpu.vector_load %arg10[%swap3A_250] {strides = array<i32>} : memref<16384xf32, #tpu.memory_space<vmem>>, vector<16xf32>,
      %swap3A_252 = vector.shape_cast %swap3A_251 : vector<16xf32> to vector<16xf32>
      %swap3A_253 = vector.shape_cast %scan3A_205#5 : vector<16xf32> to vector<16xf32>
      tpu.vector_store %arg10[%swap3A_250], %swap3A_253 {strides = array<i32>} : memref<16384xf32, #tpu.memory_space<vmem>>, vector<16xf32>,
      %mul3A_254 = arith.constant 128 : i32
      %mul3A_255 = arith.muli %mul3A_140, %mul3A_254 : i32
      %add3A_256 = arith.constant 96 : i32
      %add3A_257 = arith.addi %mul3A_255, %add3A_256 : i32
      %swap3A_258 = arith.index_cast %add3A_257 : i32 to index
      %swap3A_259 = tpu.vector_load %arg10[%swap3A_258] {strides = array<i32>} : memref<16384xf32, #tpu.memory_space<vmem>>, vector<16xf32>,
      %swap3A_260 = vector.shape_cast %swap3A_259 : vector<16xf32> to vector<16xf32>
      %swap3A_261 = vector.shape_cast %scan3A_205#6 : vector<16xf32> to vector<16xf32>
      tpu.vector_store %arg10[%swap3A_258], %swap3A_261 {strides = array<i32>} : memref<16384xf32, #tpu.memory_space<vmem>>, vector<16xf32>,
      %mul3A_262 = arith.constant 128 : i32
      %mul3A_263 = arith.muli %mul3A_140, %mul3A_262 : i32
      %add3A_264 = arith.constant 112 : i32
      %add3A_265 = arith.addi %mul3A_263, %add3A_264 : i32
      %swap3A_266 = arith.index_cast %add3A_265 : i32 to index
      %swap3A_267 = tpu.vector_load %arg10[%swap3A_266] {strides = array<i32>} : memref<16384xf32, #tpu.memory_space<vmem>>, vector<16xf32>,
      %swap3A_268 = vector.shape_cast %swap3A_267 : vector<16xf32> to vector<16xf32>
      %swap3A_269 = vector.shape_cast %scan3A_205#7 : vector<16xf32> to vector<16xf32>
      tpu.vector_store %arg10[%swap3A_266], %swap3A_269 {strides = array<i32>} : memref<16384xf32, #tpu.memory_space<vmem>>, vector<16xf32>,
      %mul3A_270 = arith.constant 200 : i32
      %mul3A_271 = arith.muli %select_n3A, %mul3A_270 : i32
      %dma_start3A_272 = arith.constant 0 : i32
      %dma_start3A_273 = arith.constant 0 : i32
      %dma_start3A_274 = tpu.memref_slice %arg8[%dma_start3A_272, %dma_start3A_273] : memref<200x128xf32, #tpu.memory_space<vmem>> -> memref<104x128xf32, #tpu.memory_space<vmem>>
      %dma_start3A_275 = tpu.memref_slice %arg7[%mul3A_271] : memref<25600xi32, #tpu.memory_space<vmem>> -> memref<104xi32, #tpu.memory_space<vmem>>
      %dma_start3A_276 = arith.constant 0 : i32
      %dma_start3A_277 = arith.constant 0 : i32
      %dma_start3A_278 = tpu.memref_slice %arg5[%dma_start3A_276, %dma_start3A_277] : memref<100000x128xf32, #tpu.memory_space<hbm>> -> memref<100000x128xf32, #tpu.memory_space<hbm>>
      tpu.enqueue_indirect_dma source(%dma_start3A_278 : memref<100000x128xf32, #tpu.memory_space<hbm>>) target(%dma_start3A_274 : memref<104x128xf32, #tpu.memory_space<vmem>>) offsets(%dma_start3A_275 : memref<104xi32, #tpu.memory_space<vmem>>) semaphore(%arg11 : memref<!tpu.dma_semaphore, #tpu.memory_space<semaphore_mem>>)
      %mul3A_279 = arith.constant 200 : i32
      %mul3A_280 = arith.muli %select_n3A, %mul3A_279 : i32
      %add3A_281 = arith.constant 104 : i32
      %add3A_282 = arith.addi %mul3A_280, %add3A_281 : i32
      %dma_start3A_283 = arith.constant 104 : i32
      %dma_start3A_284 = arith.constant 0 : i32
      %dma_start3A_285 = tpu.memref_slice %arg8[%dma_start3A_283, %dma_start3A_284] : memref<200x128xf32, #tpu.memory_space<vmem>> -> memref<96x128xf32, #tpu.memory_space<vmem>>
      %dma_start3A_286 = tpu.memref_slice %arg7[%add3A_282] : memref<25600xi32, #tpu.memory_space<vmem>> -> memref<96xi32, #tpu.memory_space<vmem>>
      %dma_start3A_287 = arith.constant 0 : i32
      %dma_start3A_288 = arith.constant 0 : i32
      %dma_start3A_289 = tpu.memref_slice %arg5[%dma_start3A_287, %dma_start3A_288] : memref<100000x128xf32, #tpu.memory_space<hbm>> -> memref<100000x128xf32, #tpu.memory_space<hbm>>
      tpu.enqueue_indirect_dma source(%dma_start3A_289 : memref<100000x128xf32, #tpu.memory_space<hbm>>) target(%dma_start3A_285 : memref<96x128xf32, #tpu.memory_space<vmem>>) offsets(%dma_start3A_286 : memref<96xi32, #tpu.memory_space<vmem>>) semaphore(%arg11 : memref<!tpu.dma_semaphore, #tpu.memory_space<semaphore_mem>>)
      %dma_wait3A_290 = arith.constant 0 : i32
      %dma_wait3A_291 = arith.constant 0 : i32
      %dma_wait3A_292 = tpu.memref_slice %arg9[%dma_wait3A_290, %dma_wait3A_291] : memref<200x128xf32, #tpu.memory_space<vmem>> -> memref<104x128xf32, #tpu.memory_space<vmem>>
      %dma_wait3A_293 = arith.constant 0 : i32
      %dma_wait3A_294 = tpu.memref_slice %arg7[%dma_wait3A_293] : memref<25600xi32, #tpu.memory_space<vmem>> -> memref<104xi32, #tpu.memory_space<vmem>>
      %dma_wait3A_295 = arith.constant 0 : i32
      %dma_wait3A_296 = arith.constant 0 : i32
      %dma_wait3A_297 = tpu.memref_slice %arg5[%dma_wait3A_295, %dma_wait3A_296] : memref<100000x128xf32, #tpu.memory_space<hbm>> -> memref<100000x128xf32, #tpu.memory_space<hbm>>
      tpu.wait_indirect_dma semaphore(%arg12 : memref<!tpu.dma_semaphore, #tpu.memory_space<semaphore_mem>>) src(%dma_wait3A_297 : memref<100000x128xf32, #tpu.memory_space<hbm>>) dst(%dma_wait3A_292 : memref<104x128xf32, #tpu.memory_space<vmem>>)
      %dma_wait3A_298 = arith.constant 104 : i32
      %dma_wait3A_299 = arith.constant 0 : i32
      %dma_wait3A_300 = tpu.memref_slice %arg9[%dma_wait3A_298, %dma_wait3A_299] : memref<200x128xf32, #tpu.memory_space<vmem>> -> memref<96x128xf32, #tpu.memory_space<vmem>>
      %dma_wait3A_301 = arith.constant 0 : i32
      %dma_wait3A_302 = tpu.memref_slice %arg7[%dma_wait3A_301] : memref<25600xi32, #tpu.memory_space<vmem>> -> memref<96xi32, #tpu.memory_space<vmem>>
      %dma_wait3A_303 = arith.constant 0 : i32
      %dma_wait3A_304 = arith.constant 0 : i32
      %dma_wait3A_305 = tpu.memref_slice %arg5[%dma_wait3A_303, %dma_wait3A_304] : memref<100000x128xf32, #tpu.memory_space<hbm>> -> memref<100000x128xf32, #tpu.memory_space<hbm>>
      tpu.wait_indirect_dma semaphore(%arg12 : memref<!tpu.dma_semaphore, #tpu.memory_space<semaphore_mem>>) src(%dma_wait3A_305 : memref<100000x128xf32, #tpu.memory_space<hbm>>) dst(%dma_wait3A_300 : memref<96x128xf32, #tpu.memory_space<vmem>>)
      %broadcast_in_dim3A_306 = arith.constant 0.000000e+00 : f32
      %broadcast_in_dim3A_307 = vector.broadcast %broadcast_in_dim3A_306 : f32 to vector<16xf32>
      %broadcast_in_dim3A_308 = arith.constant 0.000000e+00 : f32
      %broadcast_in_dim3A_309 = vector.broadcast %broadcast_in_dim3A_308 : f32 to vector<16xf32>
      %broadcast_in_dim3A_310 = arith.constant 0.000000e+00 : f32
      %broadcast_in_dim3A_311 = vector.broadcast %broadcast_in_dim3A_310 : f32 to vector<16xf32>
      %broadcast_in_dim3A_312 = arith.constant 0.000000e+00 : f32
      %broadcast_in_dim3A_313 = vector.broadcast %broadcast_in_dim3A_312 : f32 to vector<16xf32>
      %broadcast_in_dim3A_314 = arith.constant 0.000000e+00 : f32
      %broadcast_in_dim3A_315 = vector.broadcast %broadcast_in_dim3A_314 : f32 to vector<16xf32>
      %broadcast_in_dim3A_316 = arith.constant 0.000000e+00 : f32
      %broadcast_in_dim3A_317 = vector.broadcast %broadcast_in_dim3A_316 : f32 to vector<16xf32>
      %broadcast_in_dim3A_318 = arith.constant 0.000000e+00 : f32
      %broadcast_in_dim3A_319 = vector.broadcast %broadcast_in_dim3A_318 : f32 to vector<16xf32>
      %broadcast_in_dim3A_320 = arith.constant 0.000000e+00 : f32
      %broadcast_in_dim3A_321 = vector.broadcast %broadcast_in_dim3A_320 : f32 to vector<16xf32>
      %scan3A_322 = arith.constant 0 : i32
      %scan3A_323 = arith.constant 200 : i32
      %scan3A_324 = arith.addi %scan3A_322, %scan3A_323 : i32
      %scan3A_325 = arith.constant 1 : i32
      %scan3A_326:8 = scf.for %scan3A_392 = %scan3A_322 to %scan3A_324 step %scan3A_325 iter_args(%scan3A_393 = %broadcast_in_dim3A_307, %scan3A_394 = %broadcast_in_dim3A_309, %scan3A_395 = %broadcast_in_dim3A_311, %scan3A_396 = %broadcast_in_dim3A_313, %scan3A_397 = %broadcast_in_dim3A_315, %scan3A_398 = %broadcast_in_dim3A_317, %scan3A_399 = %broadcast_in_dim3A_319, %scan3A_400 = %broadcast_in_dim3A_321) -> (vector<16xf32>, vector<16xf32>, vector<16xf32>, vector<16xf32>, vector<16xf32>, vector<16xf32>, vector<16xf32>, vector<16xf32>)  : i32 {
        %get3A = arith.index_cast %scan3A_392 : i32 to index
        %get3A_401 = arith.constant 0 : index
        %get3A_402 = tpu.vector_load %arg9[%get3A, %get3A_401] {strides = array<i32>} : memref<200x128xf32, #tpu.memory_space<vmem>>, vector<1x16xf32>,
        %get3A_403 = vector.shape_cast %get3A_402 : vector<1x16xf32> to vector<16xf32>
        %add3A_404 = arith.addf %scan3A_393, %get3A_403 : vector<16xf32>
        %get3A_405 = arith.index_cast %scan3A_392 : i32 to index
        %get3A_406 = arith.constant 16 : index
        %get3A_407 = tpu.vector_load %arg9[%get3A_405, %get3A_406] {strides = array<i32>} : memref<200x128xf32, #tpu.memory_space<vmem>>, vector<1x16xf32>,
        %get3A_408 = vector.shape_cast %get3A_407 : vector<1x16xf32> to vector<16xf32>
        %add3A_409 = arith.addf %scan3A_394, %get3A_408 : vector<16xf32>
        %get3A_410 = arith.index_cast %scan3A_392 : i32 to index
        %get3A_411 = arith.constant 32 : index
        %get3A_412 = tpu.vector_load %arg9[%get3A_410, %get3A_411] {strides = array<i32>} : memref<200x128xf32, #tpu.memory_space<vmem>>, vector<1x16xf32>,
        %get3A_413 = vector.shape_cast %get3A_412 : vector<1x16xf32> to vector<16xf32>
        %add3A_414 = arith.addf %scan3A_395, %get3A_413 : vector<16xf32>
        %get3A_415 = arith.index_cast %scan3A_392 : i32 to index
        %get3A_416 = arith.constant 48 : index
        %get3A_417 = tpu.vector_load %arg9[%get3A_415, %get3A_416] {strides = array<i32>} : memref<200x128xf32, #tpu.memory_space<vmem>>, vector<1x16xf32>,
        %get3A_418 = vector.shape_cast %get3A_417 : vector<1x16xf32> to vector<16xf32>
        %add3A_419 = arith.addf %scan3A_396, %get3A_418 : vector<16xf32>
        %get3A_420 = arith.index_cast %scan3A_392 : i32 to index
        %get3A_421 = arith.constant 64 : index
        %get3A_422 = tpu.vector_load %arg9[%get3A_420, %get3A_421] {strides = array<i32>} : memref<200x128xf32, #tpu.memory_space<vmem>>, vector<1x16xf32>,
        %get3A_423 = vector.shape_cast %get3A_422 : vector<1x16xf32> to vector<16xf32>
        %add3A_424 = arith.addf %scan3A_397, %get3A_423 : vector<16xf32>
        %get3A_425 = arith.index_cast %scan3A_392 : i32 to index
        %get3A_426 = arith.constant 80 : index
        %get3A_427 = tpu.vector_load %arg9[%get3A_425, %get3A_426] {strides = array<i32>} : memref<200x128xf32, #tpu.memory_space<vmem>>, vector<1x16xf32>,
        %get3A_428 = vector.shape_cast %get3A_427 : vector<1x16xf32> to vector<16xf32>
        %add3A_429 = arith.addf %scan3A_398, %get3A_428 : vector<16xf32>
        %get3A_430 = arith.index_cast %scan3A_392 : i32 to index
        %get3A_431 = arith.constant 96 : index
        %get3A_432 = tpu.vector_load %arg9[%get3A_430, %get3A_431] {strides = array<i32>} : memref<200x128xf32, #tpu.memory_space<vmem>>, vector<1x16xf32>,
        %get3A_433 = vector.shape_cast %get3A_432 : vector<1x16xf32> to vector<16xf32>
        %add3A_434 = arith.addf %scan3A_399, %get3A_433 : vector<16xf32>
        %get3A_435 = arith.index_cast %scan3A_392 : i32 to index
        %get3A_436 = arith.constant 112 : index
        %get3A_437 = tpu.vector_load %arg9[%get3A_435, %get3A_436] {strides = array<i32>} : memref<200x128xf32, #tpu.memory_space<vmem>>, vector<1x16xf32>,
        %get3A_438 = vector.shape_cast %get3A_437 : vector<1x16xf32> to vector<16xf32>
        %add3A_439 = arith.addf %scan3A_400, %get3A_438 : vector<16xf32>
        scf.yield %add3A_404, %add3A_409, %add3A_414, %add3A_419, %add3A_424, %add3A_429, %add3A_434, %add3A_439 : vector<16xf32>, vector<16xf32>, vector<16xf32>, vector<16xf32>, vector<16xf32>, vector<16xf32>, vector<16xf32>, vector<16xf32>
      }
      %scan3A_327 = arith.constant 200 : i32
      %mul3A_328 = arith.constant 128 : i32
      %mul3A_329 = arith.muli %add3A_144, %mul3A_328 : i32
      %add3A_330 = arith.constant 0 : i32
      %add3A_331 = arith.addi %mul3A_329, %add3A_330 : i32
      %swap3A_332 = arith.index_cast %add3A_331 : i32 to index
      %swap3A_333 = tpu.vector_load %arg10[%swap3A_332] {strides = array<i32>} : memref<16384xf32, #tpu.memory_space<vmem>>, vector<16xf32>,
      %swap3A_334 = vector.shape_cast %swap3A_333 : vector<16xf32> to vector<16xf32>
      %swap3A_335 = vector.shape_cast %scan3A_326#0 : vector<16xf32> to vector<16xf32>
      tpu.vector_store %arg10[%swap3A_332], %swap3A_335 {strides = array<i32>} : memref<16384xf32, #tpu.memory_space<vmem>>, vector<16xf32>,
      %mul3A_336 = arith.constant 128 : i32
      %mul3A_337 = arith.muli %add3A_144, %mul3A_336 : i32
      %add3A_338 = arith.constant 16 : i32
      %add3A_339 = arith.addi %mul3A_337, %add3A_338 : i32
      %swap3A_340 = arith.index_cast %add3A_339 : i32 to index
      %swap3A_341 = tpu.vector_load %arg10[%swap3A_340] {strides = array<i32>} : memref<16384xf32, #tpu.memory_space<vmem>>, vector<16xf32>,
      %swap3A_342 = vector.shape_cast %swap3A_341 : vector<16xf32> to vector<16xf32>
      %swap3A_343 = vector.shape_cast %scan3A_326#1 : vector<16xf32> to vector<16xf32>
      tpu.vector_store %arg10[%swap3A_340], %swap3A_343 {strides = array<i32>} : memref<16384xf32, #tpu.memory_space<vmem>>, vector<16xf32>,
      %mul3A_344 = arith.constant 128 : i32
      %mul3A_345 = arith.muli %add3A_144, %mul3A_344 : i32
      %add3A_346 = arith.constant 32 : i32
      %add3A_347 = arith.addi %mul3A_345, %add3A_346 : i32
      %swap3A_348 = arith.index_cast %add3A_347 : i32 to index
      %swap3A_349 = tpu.vector_load %arg10[%swap3A_348] {strides = array<i32>} : memref<16384xf32, #tpu.memory_space<vmem>>, vector<16xf32>,
      %swap3A_350 = vector.shape_cast %swap3A_349 : vector<16xf32> to vector<16xf32>
      %swap3A_351 = vector.shape_cast %scan3A_326#2 : vector<16xf32> to vector<16xf32>
      tpu.vector_store %arg10[%swap3A_348], %swap3A_351 {strides = array<i32>} : memref<16384xf32, #tpu.memory_space<vmem>>, vector<16xf32>,
      %mul3A_352 = arith.constant 128 : i32
      %mul3A_353 = arith.muli %add3A_144, %mul3A_352 : i32
      %add3A_354 = arith.constant 48 : i32
      %add3A_355 = arith.addi %mul3A_353, %add3A_354 : i32
      %swap3A_356 = arith.index_cast %add3A_355 : i32 to index
      %swap3A_357 = tpu.vector_load %arg10[%swap3A_356] {strides = array<i32>} : memref<16384xf32, #tpu.memory_space<vmem>>, vector<16xf32>,
      %swap3A_358 = vector.shape_cast %swap3A_357 : vector<16xf32> to vector<16xf32>
      %swap3A_359 = vector.shape_cast %scan3A_326#3 : vector<16xf32> to vector<16xf32>
      tpu.vector_store %arg10[%swap3A_356], %swap3A_359 {strides = array<i32>} : memref<16384xf32, #tpu.memory_space<vmem>>, vector<16xf32>,
      %mul3A_360 = arith.constant 128 : i32
      %mul3A_361 = arith.muli %add3A_144, %mul3A_360 : i32
      %add3A_362 = arith.constant 64 : i32
      %add3A_363 = arith.addi %mul3A_361, %add3A_362 : i32
      %swap3A_364 = arith.index_cast %add3A_363 : i32 to index
      %swap3A_365 = tpu.vector_load %arg10[%swap3A_364] {strides = array<i32>} : memref<16384xf32, #tpu.memory_space<vmem>>, vector<16xf32>,
      %swap3A_366 = vector.shape_cast %swap3A_365 : vector<16xf32> to vector<16xf32>
      %swap3A_367 = vector.shape_cast %scan3A_326#4 : vector<16xf32> to vector<16xf32>
      tpu.vector_store %arg10[%swap3A_364], %swap3A_367 {strides = array<i32>} : memref<16384xf32, #tpu.memory_space<vmem>>, vector<16xf32>,
      %mul3A_368 = arith.constant 128 : i32
      %mul3A_369 = arith.muli %add3A_144, %mul3A_368 : i32
      %add3A_370 = arith.constant 80 : i32
      %add3A_371 = arith.addi %mul3A_369, %add3A_370 : i32
      %swap3A_372 = arith.index_cast %add3A_371 : i32 to index
      %swap3A_373 = tpu.vector_load %arg10[%swap3A_372] {strides = array<i32>} : memref<16384xf32, #tpu.memory_space<vmem>>, vector<16xf32>,
      %swap3A_374 = vector.shape_cast %swap3A_373 : vector<16xf32> to vector<16xf32>
      %swap3A_375 = vector.shape_cast %scan3A_326#5 : vector<16xf32> to vector<16xf32>
      tpu.vector_store %arg10[%swap3A_372], %swap3A_375 {strides = array<i32>} : memref<16384xf32, #tpu.memory_space<vmem>>, vector<16xf32>,
      %mul3A_376 = arith.constant 128 : i32
      %mul3A_377 = arith.muli %add3A_144, %mul3A_376 : i32
      %add3A_378 = arith.constant 96 : i32
      %add3A_379 = arith.addi %mul3A_377, %add3A_378 : i32
      %swap3A_380 = arith.index_cast %add3A_379 : i32 to index
      %swap3A_381 = tpu.vector_load %arg10[%swap3A_380] {strides = array<i32>} : memref<16384xf32, #tpu.memory_space<vmem>>, vector<16xf32>,
      %swap3A_382 = vector.shape_cast %swap3A_381 : vector<16xf32> to vector<16xf32>
      %swap3A_383 = vector.shape_cast %scan3A_326#6 : vector<16xf32> to vector<16xf32>
      tpu.vector_store %arg10[%swap3A_380], %swap3A_383 {strides = array<i32>} : memref<16384xf32, #tpu.memory_space<vmem>>, vector<16xf32>,
      %mul3A_384 = arith.constant 128 : i32
      %mul3A_385 = arith.muli %add3A_144, %mul3A_384 : i32
      %add3A_386 = arith.constant 112 : i32
      %add3A_387 = arith.addi %mul3A_385, %add3A_386 : i32
      %swap3A_388 = arith.index_cast %add3A_387 : i32 to index
      %swap3A_389 = tpu.vector_load %arg10[%swap3A_388] {strides = array<i32>} : memref<16384xf32, #tpu.memory_space<vmem>>, vector<16xf32>,
      %swap3A_390 = vector.shape_cast %swap3A_389 : vector<16xf32> to vector<16xf32>
      %swap3A_391 = vector.shape_cast %scan3A_326#7 : vector<16xf32> to vector<16xf32>
      tpu.vector_store %arg10[%swap3A_388], %swap3A_391 {strides = array<i32>} : memref<16384xf32, #tpu.memory_space<vmem>>, vector<16xf32>,
    }
    %scan3A_117 = arith.constant 64 : i32
    %dma_wait3A_118 = arith.constant 0 : i32
    %dma_wait3A_119 = arith.constant 0 : i32
    %dma_wait3A_120 = tpu.memref_slice %arg8[%dma_wait3A_118, %dma_wait3A_119] : memref<200x128xf32, #tpu.memory_space<vmem>> -> memref<104x128xf32, #tpu.memory_space<vmem>>
    %dma_wait3A_121 = arith.constant 0 : i32
    %dma_wait3A_122 = tpu.memref_slice %arg7[%dma_wait3A_121] : memref<25600xi32, #tpu.memory_space<vmem>> -> memref<104xi32, #tpu.memory_space<vmem>>
    %dma_wait3A_123 = arith.constant 0 : i32
    %dma_wait3A_124 = arith.constant 0 : i32
    %dma_wait3A_125 = tpu.memref_slice %arg5[%dma_wait3A_123, %dma_wait3A_124] : memref<100000x128xf32, #tpu.memory_space<hbm>> -> memref<100000x128xf32, #tpu.memory_space<hbm>>
    tpu.wait_indirect_dma semaphore(%arg11 : memref<!tpu.dma_semaphore, #tpu.memory_space<semaphore_mem>>) src(%dma_wait3A_125 : memref<100000x128xf32, #tpu.memory_space<hbm>>) dst(%dma_wait3A_120 : memref<104x128xf32, #tpu.memory_space<vmem>>)
    %dma_wait3A_126 = arith.constant 104 : i32
    %dma_wait3A_127 = arith.constant 0 : i32
    %dma_wait3A_128 = tpu.memref_slice %arg8[%dma_wait3A_126, %dma_wait3A_127] : memref<200x128xf32, #tpu.memory_space<vmem>> -> memref<96x128xf32, #tpu.memory_space<vmem>>
    %dma_wait3A_129 = arith.constant 0 : i32
    %dma_wait3A_130 = tpu.memref_slice %arg7[%dma_wait3A_129] : memref<25600xi32, #tpu.memory_space<vmem>> -> memref<96xi32, #tpu.memory_space<vmem>>
    %dma_wait3A_131 = arith.constant 0 : i32
    %dma_wait3A_132 = arith.constant 0 : i32
    %dma_wait3A_133 = tpu.memref_slice %arg5[%dma_wait3A_131, %dma_wait3A_132] : memref<100000x128xf32, #tpu.memory_space<hbm>> -> memref<100000x128xf32, #tpu.memory_space<hbm>>
    tpu.wait_indirect_dma semaphore(%arg11 : memref<!tpu.dma_semaphore, #tpu.memory_space<semaphore_mem>>) src(%dma_wait3A_133 : memref<100000x128xf32, #tpu.memory_space<hbm>>) dst(%dma_wait3A_128 : memref<96x128xf32, #tpu.memory_space<vmem>>)
    %add3A_134 = arith.constant 8192 : i32
    %add3A_135 = arith.addi %add3A_134, %mul3A_2 : i32
    %mul3A_136 = arith.constant 128 : i32
    %mul3A_137 = arith.muli %add3A_135, %mul3A_136 : i32
    "tpu.region"() ({
      %run_scoped3A = tpu.sem_alloc : memref<!tpu.dma_semaphore, #tpu.memory_space<semaphore_mem>>
      %dma_start3A_138 = tpu.memref_slice %arg6[%mul3A_137] : memref<1572864xf32, #tpu.memory_space<hbm>> -> memref<16384xf32, #tpu.memory_space<hbm>>
      %dma_start3A_139 = tpu.memref_slice %arg6[%mul3A_137] : memref<1572864xf32, #tpu.memory_space<hbm>> -> memref<16384xf32, #tpu.memory_space<hbm>>
      tpu.enqueue_dma source(%arg10 : memref<16384xf32, #tpu.memory_space<vmem>>) target(%dma_start3A_139 : memref<16384xf32, #tpu.memory_space<hbm>>) target_semaphore(%run_scoped3A : memref<!tpu.dma_semaphore, #tpu.memory_space<semaphore_mem>>)
      %dma_wait3A_140 = tpu.memref_slice %arg6[%mul3A_137] : memref<1572864xf32, #tpu.memory_space<hbm>> -> memref<16384xf32, #tpu.memory_space<hbm>>
      %dma_wait3A_141 = tpu.memref_slice %arg6[%mul3A_137] : memref<1572864xf32, #tpu.memory_space<hbm>> -> memref<16384xf32, #tpu.memory_space<hbm>>
      tpu.wait_dma2 semaphore(%run_scoped3A : memref<!tpu.dma_semaphore, #tpu.memory_space<semaphore_mem>>) src(%arg10 : memref<16384xf32, #tpu.memory_space<vmem>>) dst(%dma_wait3A_141 : memref<16384xf32, #tpu.memory_space<hbm>>)
      tpu.yield
    }) : () -> ()
    return
  }
}

module attributes {stable_mosaic.version = 14 : i64} {
  func.func @_mlp_body(%arg0: i32, %arg1: memref<3x512x128xf32, #tpu.memory_space<vmem>>, %arg2: memref<384x256xf32, #tpu.memory_space<vmem>>, %arg3: memref<1x256xf32, #tpu.memory_space<vmem>>, %arg4: memref<256x128xf32, #tpu.memory_space<vmem>>, %arg5: memref<1x128xf32, #tpu.memory_space<vmem>>, %arg6: memref<512x128xf32, #tpu.memory_space<vmem>>) attributes {dimension_semantics = [#tpu.dimension_semantics<arbitrary>], iteration_bounds = array<i64: 8>, scalar_prefetch = 0 : i64, scratch_operands = 0 : i64, tpu.core_type = #tpu.core_type<tc>, window_params = [{transform_indices = @transform_0, window_bounds = array<i64: 3, 512, 128>}, {pipeline_mode = #tpu.pipeline_mode<synchronous>, transform_indices = @transform_1, window_bounds = array<i64: 384, 256>}, {pipeline_mode = #tpu.pipeline_mode<synchronous>, transform_indices = @transform_2, window_bounds = array<i64: 1, 256>}, {pipeline_mode = #tpu.pipeline_mode<synchronous>, transform_indices = @transform_3, window_bounds = array<i64: 256, 128>}, {pipeline_mode = #tpu.pipeline_mode<synchronous>, transform_indices = @transform_4, window_bounds = array<i64: 1, 128>}, {transform_indices = @transform_5, window_bounds = array<i64: 512, 128>}]} {
    %get3A = arith.constant 0 : index
    %get3A_0 = arith.constant 0 : index
    %get3A_1 = arith.constant 0 : index
    %get3A_2 = vector.load %arg1[%get3A, %get3A_0, %get3A_1] : memref<3x512x128xf32, #tpu.memory_space<vmem>>, vector<1x512x128xf32>
    %get3A_3 = vector.shape_cast %get3A_2 : vector<1x512x128xf32> to vector<512x128xf32>
    %mul3A = arith.constant 5.000000e-03 : f32
    %mul3A_4 = vector.broadcast %mul3A : f32 to vector<512x128xf32>
    %mul3A_5 = arith.mulf %get3A_3, %mul3A_4 : vector<512x128xf32>
    %get3A_6 = arith.constant 0 : index
    %get3A_7 = arith.constant 0 : index
    %get3A_8 = vector.load %arg2[%get3A_6, %get3A_7] : memref<384x256xf32, #tpu.memory_space<vmem>>, vector<128x256xf32>
    %dot_general3A = arith.constant dense<0.000000e+00> : vector<512x256xf32>
    %dot_general3A_9 = tpu.matmul %mul3A_5, %get3A_8, %dot_general3A {dimension_numbers = #tpu.dot_dimension_numbers<[1], [0], [0], [1], [0, 0, 1, 1], [], []>, transpose_lhs_hint = false} : vector<512x128xf32>, vector<128x256xf32>, vector<512x256xf32> -> vector<512x256xf32>
    %get3A_10 = arith.constant 1 : index
    %get3A_11 = arith.constant 0 : index
    %get3A_12 = arith.constant 0 : index
    %get3A_13 = vector.load %arg1[%get3A_10, %get3A_11, %get3A_12] : memref<3x512x128xf32, #tpu.memory_space<vmem>>, vector<1x512x128xf32>
    %get3A_14 = vector.shape_cast %get3A_13 : vector<1x512x128xf32> to vector<512x128xf32>
    %mul3A_15 = arith.constant 5.000000e-03 : f32
    %mul3A_16 = vector.broadcast %mul3A_15 : f32 to vector<512x128xf32>
    %mul3A_17 = arith.mulf %get3A_14, %mul3A_16 : vector<512x128xf32>
    %get3A_18 = arith.constant 128 : index
    %get3A_19 = arith.constant 0 : index
    %get3A_20 = vector.load %arg2[%get3A_18, %get3A_19] : memref<384x256xf32, #tpu.memory_space<vmem>>, vector<128x256xf32>
    %dot_general3A_21 = arith.constant dense<0.000000e+00> : vector<512x256xf32>
    %dot_general3A_22 = tpu.matmul %mul3A_17, %get3A_20, %dot_general3A_21 {dimension_numbers = #tpu.dot_dimension_numbers<[1], [0], [0], [1], [0, 0, 1, 1], [], []>, transpose_lhs_hint = false} : vector<512x128xf32>, vector<128x256xf32>, vector<512x256xf32> -> vector<512x256xf32>
    %add3A = arith.addf %dot_general3A_9, %dot_general3A_22 : vector<512x256xf32>
    %get3A_23 = arith.constant 2 : index
    %get3A_24 = arith.constant 0 : index
    %get3A_25 = arith.constant 0 : index
    %get3A_26 = vector.load %arg1[%get3A_23, %get3A_24, %get3A_25] : memref<3x512x128xf32, #tpu.memory_space<vmem>>, vector<1x512x128xf32>
    %get3A_27 = vector.shape_cast %get3A_26 : vector<1x512x128xf32> to vector<512x128xf32>
    %mul3A_28 = arith.constant 5.000000e-03 : f32
    %mul3A_29 = vector.broadcast %mul3A_28 : f32 to vector<512x128xf32>
    %mul3A_30 = arith.mulf %get3A_27, %mul3A_29 : vector<512x128xf32>
    %get3A_31 = arith.constant 256 : index
    %get3A_32 = arith.constant 0 : index
    %get3A_33 = vector.load %arg2[%get3A_31, %get3A_32] : memref<384x256xf32, #tpu.memory_space<vmem>>, vector<128x256xf32>
    %dot_general3A_34 = arith.constant dense<0.000000e+00> : vector<512x256xf32>
    %dot_general3A_35 = tpu.matmul %mul3A_30, %get3A_33, %dot_general3A_34 {dimension_numbers = #tpu.dot_dimension_numbers<[1], [0], [0], [1], [0, 0, 1, 1], [], []>, transpose_lhs_hint = false} : vector<512x128xf32>, vector<128x256xf32>, vector<512x256xf32> -> vector<512x256xf32>
    %add3A_36 = arith.addf %add3A, %dot_general3A_35 : vector<512x256xf32>
    %get3A_37 = arith.constant 0 : index
    %get3A_38 = arith.constant 0 : index
    %get3A_39 = vector.load %arg3[%get3A_37, %get3A_38] : memref<1x256xf32, #tpu.memory_space<vmem>>, vector<1x256xf32>
    %add3A_40 = vector.broadcast %get3A_39 : vector<1x256xf32> to vector<512x256xf32>
    %add3A_41 = arith.addf %add3A_36, %add3A_40 : vector<512x256xf32>
    %max3A = arith.constant 0.000000e+00 : f32
    %max3A_42 = vector.broadcast %max3A : f32 to vector<512x256xf32>
    %max3A_43 = arith.maximumf %add3A_41, %max3A_42 : vector<512x256xf32>
    %get3A_44 = arith.constant 0 : index
    %get3A_45 = arith.constant 0 : index
    %get3A_46 = vector.load %arg4[%get3A_44, %get3A_45] : memref<256x128xf32, #tpu.memory_space<vmem>>, vector<256x128xf32>
    %dot_general3A_47 = arith.constant dense<0.000000e+00> : vector<512x128xf32>
    %dot_general3A_48 = tpu.matmul %max3A_43, %get3A_46, %dot_general3A_47 {dimension_numbers = #tpu.dot_dimension_numbers<[1], [0], [0], [1], [0, 0, 1, 1], [], []>, transpose_lhs_hint = false} : vector<512x256xf32>, vector<256x128xf32>, vector<512x128xf32> -> vector<512x128xf32>
    %get3A_49 = arith.constant 0 : index
    %get3A_50 = arith.constant 0 : index
    %get3A_51 = vector.load %arg5[%get3A_49, %get3A_50] : memref<1x128xf32, #tpu.memory_space<vmem>>, vector<1x128xf32>
    %add3A_52 = vector.broadcast %get3A_51 : vector<1x128xf32> to vector<512x128xf32>
    %add3A_53 = arith.addf %dot_general3A_48, %add3A_52 : vector<512x128xf32>
    %swap3A = arith.constant 0 : index
    %swap3A_54 = arith.constant 0 : index
    %swap3A_55 = vector.load %arg6[%swap3A, %swap3A_54] : memref<512x128xf32, #tpu.memory_space<vmem>>, vector<512x128xf32>
    tpu.vector_store %arg6[%swap3A, %swap3A_54], %add3A_53 {strides = array<i32>} : memref<512x128xf32, #tpu.memory_space<vmem>>, vector<512x128xf32>,
    return
  }
  func.func @transform_0(%arg0: i32) -> (i32, i32, i32) {
    %c0_i32 = arith.constant 0 : i32
    %c0_i32_0 = arith.constant 0 : i32
    %c0_i32_1 = arith.constant 0 : i32
    return %c0_i32, %arg0, %c0_i32_0 : i32, i32, i32
  }
  func.func @transform_1(%arg0: i32) -> (i32, i32) {
    %c0_i32 = arith.constant 0 : i32
    %c0_i32_0 = arith.constant 0 : i32
    %c0_i32_1 = arith.constant 0 : i32
    return %c0_i32, %c0_i32_0 : i32, i32
  }
  func.func @transform_2(%arg0: i32) -> (i32, i32) {
    %c0_i32 = arith.constant 0 : i32
    %c0_i32_0 = arith.constant 0 : i32
    %c0_i32_1 = arith.constant 0 : i32
    return %c0_i32, %c0_i32_0 : i32, i32
  }
  func.func @transform_3(%arg0: i32) -> (i32, i32) {
    %c0_i32 = arith.constant 0 : i32
    %c0_i32_0 = arith.constant 0 : i32
    %c0_i32_1 = arith.constant 0 : i32
    return %c0_i32, %c0_i32_0 : i32, i32
  }
  func.func @transform_4(%arg0: i32) -> (i32, i32) {
    %c0_i32 = arith.constant 0 : i32
    %c0_i32_0 = arith.constant 0 : i32
    %c0_i32_1 = arith.constant 0 : i32
    return %c0_i32, %c0_i32_0 : i32, i32
  }
  func.func @transform_5(%arg0: i32) -> (i32, i32) {
    %c0_i32 = arith.constant 0 : i32
    %c0_i32_0 = arith.constant 0 : i32
    return %arg0, %c0_i32 : i32, i32
  }
}

</mosaic_0001>

<sc_bundles>
// kernel: kernel.4.cloned.1.call-start
scs
__scs_entry_jumppad:
0x0: {  	(pc) =	sbr.rel $0x88, $3  }
0x1: {  	(tag) =	ssettag $0x0;
	lr =	simm.s32 $0x1  }
0x2: {  	[smem:$0x3F99] =	sst lr;
	_ =	strace $0xD0000000  }
0x3: {  	_ = 	snop  }
0x4: {  	_ = 	snop  }
0x5: {  	_ = 	snop  }
0x6: {  	_ = 	snop  }
0x7: {  	_ = 	snop  }
__scs_overlays_trampoline_lowered:
0x8: {  	[smem:$0x3FA8] =	sst s0  }
0x9: {  	[smem:$0x3FA9] =	sst s1  }
0xa: {  	[smem:$0x3FAA] =	sst s2  }
0xb: {  	[smem:$0x3FAB] =	sst s3  }
0xc: {  	[smem:$0x3FAC] =	sst s4  }
0xd: {  	[smem:$0x3FAD] =	sst s5  }
0xe: {  	[smem:$0x3FAE] =	sst s6  }
0xf: {  	[smem:$0x3FAF] =	sst s7  }
0x10: {  	[smem:$0x3FB0] =	sst s8  }
0x11: {  	[smem:$0x3FB1] =	sst s9;
	s0 =	simm.s32 @!p0 $0x0  }
0x12: {  	s1 =	sld [smem:$0x3F97];
	s0 =	simm.s32 @p0 $0x1  }
0x13: {  	[smem:$0x3FB2] =	sst s0;
	s0 =	simm.s32 @!p1 $0x0  }
0x14: {  	s2 =	sld [smem:$0x3F96];
	s0 =	simm.s32 @p1 $0x1  }
0x15: {  	[smem:$0x3FB3] =	sst s0;
	s0 =	simm.s32 @!p2 $0x0  }
0x16: {  	s3 =	sld [smem:$0x3FDB];
	s0 =	simm.s32 @p2 $0x1  }
0x17: {  	s4 =	simm.s32 $0x1BF5;
	[smem:$0x3FB5] =	sst s0  }
0x18: {  	s0 =	sld [smem:$0x3F98];
	_ =	swait.ge [sflag:s4], $0x0  }
0x19: {  	s7 =	sld [smem:$0x3F99]  }
0x1a: {  	s8 =	sadd.s32 $0xFFFFE003, lr  }
0x1b: {  	s9 =	sadd.s32 $0xFFFFFEF7, lr;
	s5 =	simm.s32 $0xFFFFFFFF;
	p2 =	slt.u32 s8, $0xFFFFF086  }
0x1c: {  	p1 =	slt.u32 s9, $0xF7A;
	s5 =	simm.s32 @!p2 $0x0  }
0x1d: {  	s5 =	simm.s32 @p1 $0x1;
	p0 =	seq.s32 s7, s2  }
0x1e: {  	s7 =	smul.u32 @!p0 $0xF7A, s2;
	p2 =	seq.s32 @!p0 s5, $0x0  }
0x1f: {  	s9 =	smul.u32 $0xF7A, s1;
	s8 =	simm.s32 @!p0 $0x1BF5;
	p2 =	por !p2, p0  }
0x20: {  	[sflag:s8] =	ssyncset.s32 @!p0 $0xFFFFF086;
	s6 =	sadd.s32 @!p0 s3, s7;
	s7 =	simm.s32 @!p0 $0x108  }
0x21: {  	s3 =	sadd.s32 s3, s9;
	s6 =	sadd.s32 @!p0 $0x88, s6;
	s7 =	simm.s32 @p2 $0x1082  }
0x22: {  	[simem:s7], [sflag:s8] =	dma.local @!p0 [hbm:s6], $0xF7A  }
0x23: {  	s9 =	sor.u32 $0xD0000000, s2;
	s6 =	simm.s32 $0x108;
	_ =	swait.ge @!p0 [sflag:s8], $0x0  }
0x24: {  	s3 =	sadd.s32 $0x88, s3;
	s6 =	simm.s32 @!p1 $0x1082;
	[sflag:s4] =	ssyncset.s32 $0xFFFFF086  }
0x25: {  	[simem:s6], [sflag:s4] =	dma.local [hbm:s3], $0xF7A  }
0x26: {  	[smem:$0x3F99] =	sst s1;
	(tag) =	ssettag s2;
	_ =	strace s9  }
0x27: {  	s1 =	sld [smem:$0x3FA9]  }
0x28: {  	s2 =	sld [smem:$0x3FAA]  }
0x29: {  	s4 =	sld [smem:$0x3FAC]  }
0x2a: {  	p0 =	seq.s32 s5, $0x0;
	s5 =	sld [smem:$0x3FAD]  }
0x2b: {  	s6 =	sld [smem:$0x3FAE]  }
0x2c: {  	s7 =	sld [smem:$0x3FAF]  }
0x2d: {  	s3 =	simm.s32 $0x108;
	s8 =	sld [smem:$0x3FB0]  }
0x2e: {  	s3 =	simm.s32 @!p0 $0x1082;
	s9 =	sld [smem:$0x3FB1]  }
0x2f: {  	lr =	sadd.s32 s0, s3;
	s0 =	sld [smem:$0x3FA8]  }
0x30: {  	s3 =	sld [smem:$0x3FAB]  }
0x31: {  	[smem:$0x3FB4] =	sst s10  }
0x32: {  	s10 =	sld [smem:$0x3FB2];
	_ =	sdelay $0x3  }
0x33: {  	p0 =	seq.s32 s10, $0x1;
	s10 =	sld [smem:$0x3FB4];
	_ =	sdelay $0x3  }
0x34: {  	[smem:$0x3FB4] =	sst s10  }
0x35: {  	s10 =	sld [smem:$0x3FB3];
	_ =	sdelay $0x3  }
0x36: {  	p1 =	seq.s32 s10, $0x1;
	s10 =	sld [smem:$0x3FB4];
	_ =	sdelay $0x3  }
0x37: {  	[smem:$0x3FB4] =	sst s10  }
0x38: {  	s10 =	sld [smem:$0x3FB5]  }
0x39: {  	_ = 	snop;
	(pc) =	sbr.ind lr, $3  }
0x3a: {  	_ = 	snop  }
0x3b: {  	_ = 	snop  }
0x3c: {  	p2 =	seq.s32 s10, $0x1;
	s10 =	sld [smem:$0x3FB4]  }
0x3d: {  	_ =	shalt  }
0x3e: {  	_ =	shalt  }
0x3f: {  	_ =	shalt  }
0x40: {  	_ =	shalt  }
0x41: {  	_ =	shalt  }
0x42: {  	_ =	shalt  }
0x43: {  	_ =	shalt  }
0x44: {  	_ =	shalt  }
0x45: {  	_ =	shalt  }
0x46: {  	_ =	shalt  }
0x47: {  	_ =	shalt  }
0x48: {  	_ =	shalt  }
0x49: {  	_ =	shalt  }
0x4a: {  	_ =	shalt  }
0x4b: {  	_ =	shalt  }
0x4c: {  	_ =	shalt  }
0x4d: {  	_ =	shalt  }
0x4e: {  	_ =	shalt  }
0x4f: {  	_ =	shalt  }
0x50: {  	_ =	shalt  }
0x51: {  	_ =	shalt  }
0x52: {  	_ =	shalt  }
0x53: {  	_ =	shalt  }
0x54: {  	_ =	shalt  }
0x55: {  	_ =	shalt  }
0x56: {  	_ =	shalt  }
0x57: {  	_ =	shalt  }
0x58: {  	_ =	shalt  }
0x59: {  	_ =	shalt  }
0x5a: {  	_ =	shalt  }
0x5b: {  	_ =	shalt  }
0x5c: {  	_ =	shalt  }
0x5d: {  	_ =	shalt  }
0x5e: {  	_ =	shalt  }
0x5f: {  	_ =	shalt  }
0x60: {  	_ =	shalt  }
0x61: {  	_ =	shalt  }
0x62: {  	_ =	shalt  }
0x63: {  	_ =	shalt  }
0x64: {  	_ =	shalt  }
0x65: {  	_ =	shalt  }
0x66: {  	_ =	shalt  }
0x67: {  	_ =	shalt  }
0x68: {  	_ =	shalt  }
0x69: {  	_ =	shalt  }
0x6a: {  	_ =	shalt  }
0x6b: {  	_ =	shalt  }
0x6c: {  	_ =	shalt  }
0x6d: {  	_ =	shalt  }
0x6e: {  	_ =	shalt  }
0x6f: {  	_ =	shalt  }
0x70: {  	_ =	shalt  }
0x71: {  	_ =	shalt  }
0x72: {  	_ =	shalt  }
0x73: {  	_ =	shalt  }
0x74: {  	_ =	shalt  }
0x75: {  	_ =	shalt  }
0x76: {  	_ =	shalt  }
0x77: {  	_ =	shalt  }
0x78: {  	_ =	shalt  }
0x79: {  	_ =	shalt  }
0x7a: {  	_ =	shalt  }
0x7b: {  	_ =	shalt  }
0x7c: {  	_ =	shalt  }
0x7d: {  	_ =	shalt  }
0x7e: {  	_ =	shalt  }
0x7f: {  	_ =	shalt  }
0x80: {  	_ =	shalt  }
0x81: {  	_ =	shalt  }
0x82: {  	_ =	shalt  }
0x83: {  	_ =	shalt  }
0x84: {  	_ =	shalt  }
0x85: {  	_ =	shalt  }
0x86: {  	_ =	shalt  }
0x87: {  	_ =	shalt  }
.Lfunc_end0:
.L_simem_size_0:
called_computation_lowered:
.L_overlay_start_0:
0x88: {  	s2 =	sld [smem:$0x3FD9]  }
0x89: {  	s3 =	sld [smem:$0x3FFE];
	_ =	sdelay $0x1  }
0x8a: {  	s1 =	srdreg.scid  }
0x8b: {  	s0 =	sand.u32 $0x1, s1  }
0x8c: {  	s17 =	sshll.u32 s0, $0xA;
	s2 =	sadd.s32 s3, s2  }
0x8d: {  	s2 =	sadd.s32 s2, s17  }
0x8e: {  	[smem:$0x3FC0] =	sst s2  }
0x8f: {  	_ = 	snop  }
0x90: {  	s2 =	sld [smem:$0x3FC8]  }
0x91: {  	s18 =	sld [smem:$0x3FC7]  }
0x92: {  	s4 =	sld [smem:$0x3FC6];
	(tm) =	ssettm $0x1  }
0x93: {  	s5 =	sld [smem:$0x3FFB];
	_ =	sdelay $0x3  }
0x94: {  	_ =	strace s5  }
0x95: {  	s5 =	sld [smem:$0x3FFC];
	_ =	sdelay $0x3  }
0x96: {  	_ =	strace s5  }
0x97: {  	s5 =	sld [smem:$0x3FFD];
	_ =	sdelay $0x3  }
0x98: {  	_ =	strace s5  }
0x99: {  	_ =	strace $0x8FFFFFFF  }
0x9a: {  	s19 =	sld [smem:$0x3FDB];
	_ =	sdelay $0x1  }
0x9b: {  	s6 =	simm.s32 $_scs_section_size  }
0x9c: {  	s7 =	simm.s32 $_size__tile_overlayer_lowered;
	s8 =	simm.s32 $_tile_overlayer_lowered  }
0x9d: {  	s22 =	simm.s32 $0x1BFF;
	s21 =	sshll.u32 s8, $0x1;
	s5 =	sadd.s32 s6, s19  }
0x9e: {  	s9 =	simm.s32 $0x0;
	s20 =	sshll.u32 s7, $0x1;
	s7 =	sadd.s32 s21, s5  }
0x9f: {  	[timem:s9], [sflag:s22] =	dma.local [hbm:s7], s20  }
0xa0: {  	_ =	swait.ge [sflag:s22], s20  }
0xa1: {  	s6 =	ssub.s32 $0x0, s20;
	[sflag:s22] =	ssyncset.done $0x0  }
0xa2: {  	[sflag:s22] =	ssyncadd.s32 s6;
	_ =	sdelay $0x1  }
0xa3: {  	s23 =	simm.s32 $0x1B8B  }
0xa4: {  	_ =	swait.ge [sflag:s23], $0x1  }
0xa5: {  	[sflag:s23] =	ssyncset.done $0x0  }
0xa6: {  	s25 =	simm.s32 $0x1B8E;
	s24 =	sld [smem:$0x3FFE];
	[sflag:s23] =	ssyncadd.s32 $0xFFFFFFFF  }
0xa7: {  	s26 =	simm.s32 $execute0_lowered;
	[smem:$0x3FD2] =	sst s25  }
0xa8: {  	s7 =	sshll.u32 s26, $0x1;
	_ =	strace $0x80000046;
	[dreg:$0x1] =	wrdreg $0xFFFFFFFF  }
0xa9: {  	s28 =	simm.s32 $_size_execute0_lowered;
	s5 =	sadd.s32 s5, s7;
	[dreg:$0x0] =	wrdreg $0x0  }
0xaa: {  	s7 =	sshll.u32 s28, $0x1;
	[dreg:$0x2] =	wrdreg s5  }
0xab: {  	[dreg:$0x3] =	wrdreg s7  }
0xac: {  	[dreg:$0x4] =	wrdreg $0xC0  }
0xad: {  	_ =	task [dreg:s9], $0x5FFFF  }
0xae: {  	[dreg:$0x1] =	wrdreg $0xFFFFFFFF  }
0xaf: {  	[dreg:$0x0] =	wrdreg $0x60  }
0xb0: {  	[dreg:$0x2] =	wrdreg s24  }
0xb1: {  	[dreg:$0x3] =	wrdreg s2  }
0xb2: {  	[dreg:$0x4] =	wrdreg s18  }
0xb3: {  	[dreg:$0x5] =	wrdreg s4  }
0xb4: {  	[dreg:$0x6] =	wrdreg $0x9  }
0xb5: {  	_ =	task.clear_ibuf [dreg:s9], $0x7FFFF;
	_ =	strace $0x90000046  }
0xb6: {  	s29 =	simm.s32 $0x9;
	_ =	strace $0x80000048  }
0xb7: {  	_ =	swait.ge [sflag:s29], $0x1  }
0xb8: {  	[sflag:s29] =	ssyncadd.s32 $0xFFFFFFFF  }
0xb9: {  	_ =	strace $0x90000048  }
0xba: {  	_ =	sfence  }
0xbb: {  	s30 =	sld [smem:$0x0];
	_ =	sdelay $0x2  }
0xbc: {  	s31 =	sshll.u32 s1, $0xD;
	s1 =	sshrl.u32 s1, $0x2  }
0xbd: {  	s3 =	sand.u32 $0x4000, s31;
	s1 =	sadd.s32 s1, s30  }
0xbe: {  	s0 =	sor.u32 s3, s0;
	s1 =	sshll.u32 s1, $0x11  }
0xbf: {  	s0 =	sor.u32 s1, s0  }
0xc0: {  	s0 =	sadd.s32 $0x8F2B, s0  }
0xc1: {  	[sflag:s0] =	ssyncadd.remote.s32 $0x1  }
0xc2: {  	_ =	sfence.sel $0xFFFF  }
0xc3: {  	[dreg:$0x0] =	wrdreg $0xFFFFFFFF;
	(pc) =	sbr.abs _section_cstart, $3  }
0xc4: {  	[dreg:$0x1] =	wrdreg $0xFFFFFFFF  }
0xc5: {  	_ =	task.clear_ibuf [dreg:s9], $0x2FFFF;
	_ =	strace $0x9FFFFFFF  }
0xc6: {  	(tm) =	ssettm $0x7FFFFFFF  }
0xc7: {  	_ =	shalt  }
tec
execute0_lowered:
.L_overlay_start_1:
0x0: {  	(tag) =	ssettag $0x1  }
0x1: {  	s6 =	rddreg [dreg:$0x0]  }
0x2: {  	s1 =	rddreg [dreg:$0x1]  }
0x3: {  	s3 =	rddreg [dreg:$0x2];
	s2 =	srdreg.scid  }
0x4: {  	s0 =	stileid.u32;
	s4 =	rddreg [dreg:$0x3]  }
0x5: {  	s5 =	simm.s32 $0x0;
	s14 =	simm.s32 $0x68;
	s15 =	simm.s32 $0x6400  }
0x6: {  	s16 =	simm.s32 $0x60;
	s17 =	simm.s32 $0x9800;
	s18 =	simm.s32 $0xC800  }
0x7: {  	s19 =	simm.s32 $0xFC00;
	s20 =	simm.s32 $0x1;
	s21 =	simm.s32 $0x2  }
0x8: {  	s22 =	simm.s32 $0x12C00;
	s7 =	sand.u32 $0x1, s2;
	s8 =	sshll.u32 s0, $0x1  }
0x9: {  	s23 =	simm.s32 $0x0;
	s2 =	rddreg [dreg:$0x4];
	s8 =	sor.u32 s7, s8  }
0xa: {  	[smem:$0x7FF] =	sst s5;
	s7 =	ssub.s32 $0x2, s7;
	s9 =	smul.u32 $0x6400, s8  }
0xb: {  	_ =	strace $0x80000047;
	s8 =	sshll.u32 s8, $0xB;
	s10 =	sshrl.u32 s7, $0x1  }
0xc: {  	s12 =	sadd.s32 s8, s6;
	s13 =	ssub.s32 s7, s10;
	s9 =	sshrl.u32 s9, $0x3  }
0xd: {  	s7 =	sadd.s32 $0x64E00, s12;
	s11 =	sadd.s32 s9, s6;
	s9 =	sadd.s32 $0x74E00, s12  }
0xe: {  	s6 =	sadd.s32 $0xE00, s11;
	s8 =	sadd.s32 $0x32E00, s11;
	s10 =	sadd.s32 $0x4BE00, s11  }
0xf: {  	s11 =	sadd.s32 $0x84E00, s12;
	s12 =	smax.u32 s13, $0x1;
	s13 =	simm.s32 $0x3  }
.LBB2_1:
0x10: {  	[tilespmem:s5], [sflag:$0x3] =	stream.linear.gather [hbm4b:s6+s5], $0x6400, $0x38;
	[tilespmem:$0x16C00] =	vst v63  }
0x11: {  	_ =	swait.ge [sflag:s13], $0x6400  }
0x12: {  	[sflag:s13] =	ssyncset.done $0x0  }
0x13: {  	[sflag:s13] =	ssyncadd.s32 $0xFFFF9C00  }
0x14: {  	[tilespmem:s15], [sflag:$0x1] =	stream.indirect.gather [hbm4b:s1+s14], $0x80, s5, s14, $0xb8;
	[tilespmem:$0x16C00] =	vst v63  }
0x15: {  	s24 =	simm.s32 $0x0  }
0x16: {  	[tilespmem:s17], [sflag:$0x1] =	stream.indirect.gather [hbm4b:s1+s16], $0x80, s14, s16, $0xb8;
	[tilespmem:$0x16C00] =	vst v63  }
.LBB2_2:
0x17: {  	s25 =	sshllo.u32 s24, $0x1  }
0x18: {  	s26 =	smul.u32 $0x320, s25;
	_ =	sdelay $0x1  }
0x19: {  	s26 =	sshra.s32 s26, $0x2  }
0x1a: {  	[tilespmem:s18], [sflag:$0x2] =	stream.indirect.gather [hbm4b:s1+s14], $0x80, s26, s14, $0xb8;
	[tilespmem:$0x16C00] =	vst v63  }
0x1b: {  	s26 =	sadd.s32 $0x68, s26  }
0x1c: {  	[tilespmem:s19], [sflag:$0x2] =	stream.indirect.gather [hbm4b:s1+s16], $0x80, s26, s16, $0xb8;
	[tilespmem:$0x16C00] =	vst v63  }
0x1d: {  	_ =	swait.ge [sflag:s20], $0x3400  }
0x1e: {  	[sflag:s20] =	ssyncset.done $0x0  }
0x1f: {  	[sflag:s20] =	ssyncadd.s32 $0xFFFFCC00  }
0x20: {  	_ =	swait.ge [sflag:s20], $0x3000  }
0x21: {  	[sflag:s20] =	ssyncset.done $0x0  }
0x22: {  	s29 =	simm.s32 $0x0;
	[sflag:s20] =	ssyncadd.s32 $0xFFFFD000  }
0x23: {  	v0 =	vld [tilespmem:s29+$0x6470]  }
0x24: {  	v1 =	vld [tilespmem:s29+$0x6400]  }
0x25: {  	v3 =	vld [tilespmem:s29+$0x6410]  }
0x26: {  	v12 =	vld [tilespmem:s29+$0x6420]  }
0x27: {  	v10 =	vld [tilespmem:s29+$0x6430]  }
0x28: {  	v2 =	vimm.f32 $0.0e+00;
	v6 =	vimm.f32 $0.0e+00;
	v5 =	vld [tilespmem:s29+$0x6440]  }
0x29: {  	v7 =	vimm.f32 $0.0e+00;
	v8 =	vld [tilespmem:s29+$0x6450];
	v0 =	vadd.f32 v0, v2;
	v9 =	vadd.f32 v1, v2  }
0x2a: {  	s28 =	simm.s32 $0x400;
	s26 =	simm.s32 $0x80;
	v11 =	vld [tilespmem:s29+$0x6460];
	v4 =	vadd.f32 v3, v2;
	v3 =	vimm.f32 $0.0e+00;
	v1 =	vimm.f32 $0.0e+00  }
.LBB2_3:
0x2b: {  	p0 =	sne.s32 s28, $0x18E00;
	v13 =	vld [tilespmem:s26+$0x6470];
	v2 =	vadd.f32 v12, v2  }
0x2c: {  	v14 =	vld [tilespmem:s26+$0x6400];
	v6 =	vadd.f32 v10, v6  }
0x2d: {  	v15 =	vld [tilespmem:s26+$0x6410];
	v7 =	vadd.f32 v5, v7  }
.Ltmp0:
0x2e: {  	v12 =	vld [tilespmem:s26+$0x6420];
	v3 =	vadd.f32 v8, v3;
	(pc) =	sbr.rel @p0 .LBB2_3-.Ltmp0, $4  }
0x2f: {  	v10 =	vld [tilespmem:s26+$0x6430];
	v1 =	vadd.f32 v11, v1  }
0x30: {  	v5 =	vld [tilespmem:s26+$0x6440];
	v0 =	vadd.f32 v13, v0  }
0x31: {  	v9 =	vadd.f32 v14, v9;
	v8 =	vld [tilespmem:s26+$0x6450]  }
0x32: {  	v4 =	vadd.f32 v15, v4;
	v11 =	vld [tilespmem:s26+$0x6460];
	s26 =	sshra.s32 s28, $0x2;
	s28 =	sadd.s32 $0x200, s28  }
0x33: {  	v14 =	vld [tilespmem:s26+$0x6400]  }
0x34: {  	v15 =	vld [tilespmem:s26+$0x6410]  }
0x35: {  	v16 =	vld [tilespmem:s26+$0x6420]  }
0x36: {  	v17 =	vld [tilespmem:s26+$0x6430]  }
0x37: {  	v13 =	vld [tilespmem:s26+$0x6470];
	v2 =	vadd.f32 v12, v2  }
0x38: {  	s28 =	sshll.u32 s24, $0x8;
	v6 =	vadd.f32 v10, v6;
	v10 =	vld [tilespmem:s26+$0x6460];
	v9 =	vadd.f32 v14, v9  }
0x39: {  	v18 =	vld [tilespmem:s26+$0x6440];
	s30 =	sand.u32 $0x3FFFFF00, s28;
	v4 =	vadd.f32 v15, v4  }
0x3a: {  	v12 =	vld [tilespmem:s26+$0x6450];
	v2 =	vadd.f32 v16, v2;
	[tilespmem:s30+$0x12C00] =	vst v9  }
0x3b: {  	v1 =	vadd.f32 v11, v1;
	v6 =	vadd.f32 v17, v6;
	[tilespmem:s30+$0x12C10] =	vst v4  }
0x3c: {  	v5 =	vadd.f32 v5, v7;
	v0 =	vadd.f32 v13, v0;
	[tilespmem:s30+$0x12C20] =	vst v2  }
0x3d: {  	v3 =	vadd.f32 v8, v3;
	v1 =	vadd.f32 v10, v1;
	[tilespmem:s30+$0x12C30] =	vst v6  }
0x3e: {  	s28 =	smul.u32 $0x190, s24;
	v4 =	vadd.f32 v18, v5;
	[tilespmem:s30+$0x12C70] =	vst v0  }
0x3f: {  	v2 =	vadd.f32 v12, v3;
	[tilespmem:s30+$0x12C60] =	vst v1  }
0x40: {  	p0 =	seq.s32 s24, $0x3F;
	s28 =	sadd.s32 $0x190, s28;
	[tilespmem:s30+$0x12C40] =	vst v4  }
0x41: {  	s28 =	simm.s32 @p0 $0x0;
	[tilespmem:s30+$0x12C50] =	vst v2  }
0x42: {  	[tilespmem:s15], [sflag:$0x1] =	stream.indirect.gather [hbm4b:s1+s14], $0x80, s28, s14, $0xb8;
	[tilespmem:$0x16C00] =	vst v63  }
0x43: {  	s31 =	sadd.s32 $0x68, s28  }
0x44: {  	[tilespmem:s17], [sflag:$0x1] =	stream.indirect.gather [hbm4b:s1+s16], $0x80, s31, s16, $0xb8;
	[tilespmem:$0x16C00] =	vst v63  }
0x45: {  	_ =	swait.ge [sflag:s21], $0x3400  }
0x46: {  	[sflag:s21] =	ssyncset.done $0x0  }
0x47: {  	[sflag:s21] =	ssyncadd.s32 $0xFFFFCC00  }
0x48: {  	_ =	swait.ge [sflag:s21], $0x3000  }
0x49: {  	[sflag:s21] =	ssyncset.done $0x0  }
0x4a: {  	s29 =	simm.s32 $0x0;
	[sflag:s21] =	ssyncadd.s32 $0xFFFFD000  }
0x4b: {  	v0 =	vld [tilespmem:s29+$0xC870]  }
0x4c: {  	v1 =	vld [tilespmem:s29+$0xC800]  }
0x4d: {  	v3 =	vld [tilespmem:s29+$0xC810]  }
0x4e: {  	v12 =	vld [tilespmem:s29+$0xC820]  }
0x4f: {  	v10 =	vld [tilespmem:s29+$0xC830]  }
0x50: {  	v7 =	vimm.f32 $0.0e+00;
	v2 =	vimm.f32 $0.0e+00;
	v5 =	vld [tilespmem:s29+$0xC840]  }
0x51: {  	v6 =	vimm.f32 $0.0e+00;
	v8 =	vld [tilespmem:s29+$0xC850];
	v0 =	vadd.f32 v0, v2;
	v9 =	vadd.f32 v1, v2  }
0x52: {  	s26 =	simm.s32 $0x80;
	s28 =	simm.s32 $0x400;
	v11 =	vld [tilespmem:s29+$0xC860];
	v4 =	vadd.f32 v3, v2;
	v3 =	vimm.f32 $0.0e+00;
	v1 =	vimm.f32 $0.0e+00  }
.LBB2_5:
0x53: {  	p0 =	sne.s32 s28, $0x18E00;
	v13 =	vld [tilespmem:s26+$0xC870];
	v2 =	vadd.f32 v12, v2  }
0x54: {  	v14 =	vld [tilespmem:s26+$0xC800];
	v6 =	vadd.f32 v10, v6  }
0x55: {  	v15 =	vld [tilespmem:s26+$0xC810];
	v7 =	vadd.f32 v5, v7  }
.Ltmp1:
0x56: {  	v12 =	vld [tilespmem:s26+$0xC820];
	v3 =	vadd.f32 v8, v3;
	(pc) =	sbr.rel @p0 .LBB2_5-.Ltmp1, $4  }
0x57: {  	v10 =	vld [tilespmem:s26+$0xC830];
	v1 =	vadd.f32 v11, v1  }
0x58: {  	v5 =	vld [tilespmem:s26+$0xC840];
	v0 =	vadd.f32 v13, v0  }
0x59: {  	v9 =	vadd.f32 v14, v9;
	v8 =	vld [tilespmem:s26+$0xC850]  }
0x5a: {  	v4 =	vadd.f32 v15, v4;
	v11 =	vld [tilespmem:s26+$0xC860];
	s26 =	sshra.s32 s28, $0x2;
	s28 =	sadd.s32 $0x200, s28  }
0x5b: {  	v14 =	vld [tilespmem:s26+$0xC800]  }
0x5c: {  	v15 =	vld [tilespmem:s26+$0xC810]  }
0x5d: {  	v16 =	vld [tilespmem:s26+$0xC820]  }
0x5e: {  	v17 =	vld [tilespmem:s26+$0xC830]  }
0x5f: {  	v18 =	vld [tilespmem:s26+$0xC840]  }
0x60: {  	v2 =	vadd.f32 v12, v2;
	v60 =	vld [tilespmem:s26+$0xC850];
	s25 =	sshll.u32 s25, $0x7;
	v9 =	vadd.f32 v14, v9  }
0x61: {  	v13 =	vld [tilespmem:s26+$0xC870];
	v6 =	vadd.f32 v10, v6;
	s25 =	sand.u32 $0x3FFFFF80, s25;
	v4 =	vadd.f32 v15, v4  }
0x62: {  	v61 =	vld [tilespmem:s26+$0xC860];
	v5 =	vadd.f32 v5, v7;
	v2 =	vadd.f32 v16, v2;
	[tilespmem:s25+$0x12C00] =	vst v9  }
0x63: {  	s24 =	sadd.s32 $0x1, s24;
	v3 =	vadd.f32 v8, v3;
	v6 =	vadd.f32 v17, v6;
	[tilespmem:s25+$0x12C10] =	vst v4  }
0x64: {  	p0 =	sne.s32 s24, $0x40;
	v62 =	vadd.f32 v18, v5;
	[tilespmem:s25+$0x12C20] =	vst v2  }
.Ltmp2:
0x65: {  	v1 =	vadd.f32 v11, v1;
	v63 =	vadd.f32 v60, v3;
	[tilespmem:s25+$0x12C30] =	vst v6;
	(pc) =	sbr.rel @p0 .LBB2_2-.Ltmp2, $4  }
0x66: {  	v0 =	vadd.f32 v13, v0;
	[tilespmem:s25+$0x12C40] =	vst v62  }
0x67: {  	v1 =	vadd.f32 v61, v1;
	[tilespmem:s25+$0x12C50] =	vst v63  }
0x68: {  	[tilespmem:s25+$0x12C70] =	vst v0  }
0x69: {  	[tilespmem:s25+$0x12C60] =	vst v1  }
0x6a: {  	_ =	swait.ge [sflag:s20], $0x3400  }
0x6b: {  	[sflag:s20] =	ssyncset.done $0x0  }
0x6c: {  	[sflag:s20] =	ssyncadd.s32 $0xFFFFCC00  }
0x6d: {  	_ =	swait.ge [sflag:s20], $0x3000  }
0x6e: {  	[sflag:s20] =	ssyncset.done $0x0  }
0x6f: {  	s24 =	simm.s32 $0x0;
	[sflag:s20] =	ssyncadd.s32 $0xFFFFD000  }
0x70: {  	[hbm4b:s7+s24] =	stream.linear.scatter [tilespmem:s22], [sflag:$0x3], $0x4000, $0x38;
	[tilespmem:$0x16C00] =	vst v63  }
0x71: {  	_ =	swait.ge [sflag:s13], $0x4000  }
0x72: {  	[sflag:s13] =	ssyncset.done $0x0  }
0x73: {  	[sflag:s13] =	ssyncadd.s32 $0xFFFFC000  }
0x74: {  	[tilespmem:s24], [sflag:$0x3] =	stream.linear.gather [hbm4b:s8+s24], $0x6400, $0x38;
	[tilespmem:$0x16C00] =	vst v63  }
0x75: {  	_ =	swait.ge [sflag:s13], $0x6400  }
0x76: {  	[sflag:s13] =	ssyncset.done $0x0  }
0x77: {  	[sflag:s13] =	ssyncadd.s32 $0xFFFF9C00  }
0x78: {  	[tilespmem:s15], [sflag:$0x1] =	stream.indirect.gather [hbm4b:s3+s14], $0x80, s24, s14, $0xb8;
	[tilespmem:$0x16C00] =	vst v63  }
0x79: {  	_ = 	snop  }
0x7a: {  	[tilespmem:s17], [sflag:$0x1] =	stream.indirect.gather [hbm4b:s3+s16], $0x80, s14, s16, $0xb8;
	[tilespmem:$0x16C00] =	vst v63  }
.LBB2_8:
0x7b: {  	s25 =	sshllo.u32 s24, $0x1  }
0x7c: {  	s26 =	smul.u32 $0x320, s25;
	_ =	sdelay $0x1  }
0x7d: {  	s26 =	sshra.s32 s26, $0x2  }
0x7e: {  	[tilespmem:s18], [sflag:$0x2] =	stream.indirect.gather [hbm4b:s3+s14], $0x80, s26, s14, $0xb8;
	[tilespmem:$0x16C00] =	vst v63  }
0x7f: {  	s26 =	sadd.s32 $0x68, s26  }
0x80: {  	[tilespmem:s19], [sflag:$0x2] =	stream.indirect.gather [hbm4b:s3+s16], $0x80, s26, s16, $0xb8;
	[tilespmem:$0x16C00] =	vst v63  }
0x81: {  	_ =	swait.ge [sflag:s20], $0x3400  }
0x82: {  	[sflag:s20] =	ssyncset.done $0x0  }
0x83: {  	[sflag:s20] =	ssyncadd.s32 $0xFFFFCC00  }
0x84: {  	_ =	swait.ge [sflag:s20], $0x3000  }
0x85: {  	[sflag:s20] =	ssyncset.done $0x0  }
0x86: {  	s29 =	simm.s32 $0x0;
	[sflag:s20] =	ssyncadd.s32 $0xFFFFD000  }
0x87: {  	v0 =	vld [tilespmem:s29+$0x6470]  }
0x88: {  	v1 =	vld [tilespmem:s29+$0x6400]  }
0x89: {  	v3 =	vld [tilespmem:s29+$0x6410]  }
0x8a: {  	v12 =	vld [tilespmem:s29+$0x6420]  }
0x8b: {  	v10 =	vld [tilespmem:s29+$0x6430]  }
0x8c: {  	v2 =	vimm.f32 $0.0e+00;
	v6 =	vimm.f32 $0.0e+00;
	v5 =	vld [tilespmem:s29+$0x6440]  }
0x8d: {  	v7 =	vimm.f32 $0.0e+00;
	v8 =	vld [tilespmem:s29+$0x6450];
	v0 =	vadd.f32 v0, v2;
	v9 =	vadd.f32 v1, v2  }
0x8e: {  	s28 =	simm.s32 $0x400;
	s26 =	simm.s32 $0x80;
	v11 =	vld [tilespmem:s29+$0x6460];
	v4 =	vadd.f32 v3, v2;
	v3 =	vimm.f32 $0.0e+00;
	v1 =	vimm.f32 $0.0e+00  }
.LBB2_9:
0x8f: {  	p0 =	sne.s32 s28, $0x18E00;
	v13 =	vld [tilespmem:s26+$0x6470];
	v2 =	vadd.f32 v12, v2  }
0x90: {  	v14 =	vld [tilespmem:s26+$0x6400];
	v6 =	vadd.f32 v10, v6  }
0x91: {  	v15 =	vld [tilespmem:s26+$0x6410];
	v7 =	vadd.f32 v5, v7  }
.Ltmp3:
0x92: {  	v12 =	vld [tilespmem:s26+$0x6420];
	v3 =	vadd.f32 v8, v3;
	(pc) =	sbr.rel @p0 .LBB2_9-.Ltmp3, $4  }
0x93: {  	v10 =	vld [tilespmem:s26+$0x6430];
	v1 =	vadd.f32 v11, v1  }
0x94: {  	v5 =	vld [tilespmem:s26+$0x6440];
	v0 =	vadd.f32 v13, v0  }
0x95: {  	v9 =	vadd.f32 v14, v9;
	v8 =	vld [tilespmem:s26+$0x6450]  }
0x96: {  	v4 =	vadd.f32 v15, v4;
	v11 =	vld [tilespmem:s26+$0x6460];
	s26 =	sshra.s32 s28, $0x2;
	s28 =	sadd.s32 $0x200, s28  }
0x97: {  	v14 =	vld [tilespmem:s26+$0x6400]  }
0x98: {  	v15 =	vld [tilespmem:s26+$0x6410]  }
0x99: {  	v16 =	vld [tilespmem:s26+$0x6420]  }
0x9a: {  	v17 =	vld [tilespmem:s26+$0x6430]  }
0x9b: {  	v13 =	vld [tilespmem:s26+$0x6470];
	v2 =	vadd.f32 v12, v2  }
0x9c: {  	s28 =	sshll.u32 s24, $0x8;
	v6 =	vadd.f32 v10, v6;
	v10 =	vld [tilespmem:s26+$0x6460];
	v9 =	vadd.f32 v14, v9  }
0x9d: {  	v18 =	vld [tilespmem:s26+$0x6440];
	s30 =	sand.u32 $0x3FFFFF00, s28;
	v4 =	vadd.f32 v15, v4  }
0x9e: {  	v12 =	vld [tilespmem:s26+$0x6450];
	v2 =	vadd.f32 v16, v2;
	[tilespmem:s30+$0x12C00] =	vst v9  }
0x9f: {  	v1 =	vadd.f32 v11, v1;
	v6 =	vadd.f32 v17, v6;
	[tilespmem:s30+$0x12C10] =	vst v4  }
0xa0: {  	v5 =	vadd.f32 v5, v7;
	v0 =	vadd.f32 v13, v0;
	[tilespmem:s30+$0x12C20] =	vst v2  }
0xa1: {  	v3 =	vadd.f32 v8, v3;
	v1 =	vadd.f32 v10, v1;
	[tilespmem:s30+$0x12C30] =	vst v6  }
0xa2: {  	s28 =	smul.u32 $0x190, s24;
	v4 =	vadd.f32 v18, v5;
	[tilespmem:s30+$0x12C70] =	vst v0  }
0xa3: {  	v2 =	vadd.f32 v12, v3;
	[tilespmem:s30+$0x12C60] =	vst v1  }
0xa4: {  	p0 =	seq.s32 s24, $0x3F;
	s28 =	sadd.s32 $0x190, s28;
	[tilespmem:s30+$0x12C40] =	vst v4  }
0xa5: {  	s28 =	simm.s32 @p0 $0x0;
	[tilespmem:s30+$0x12C50] =	vst v2  }
0xa6: {  	[tilespmem:s15], [sflag:$0x1] =	stream.indirect.gather [hbm4b:s3+s14], $0x80, s28, s14, $0xb8;
	[tilespmem:$0x16C00] =	vst v63  }
0xa7: {  	s31 =	sadd.s32 $0x68, s28  }
0xa8: {  	[tilespmem:s17], [sflag:$0x1] =	stream.indirect.gather [hbm4b:s3+s16], $0x80, s31, s16, $0xb8;
	[tilespmem:$0x16C00] =	vst v63  }
0xa9: {  	_ =	swait.ge [sflag:s21], $0x3400  }
0xaa: {  	[sflag:s21] =	ssyncset.done $0x0  }
0xab: {  	[sflag:s21] =	ssyncadd.s32 $0xFFFFCC00  }
0xac: {  	_ =	swait.ge [sflag:s21], $0x3000  }
0xad: {  	[sflag:s21] =	ssyncset.done $0x0  }
0xae: {  	s29 =	simm.s32 $0x0;
	[sflag:s21] =	ssyncadd.s32 $0xFFFFD000  }
0xaf: {  	v0 =	vld [tilespmem:s29+$0xC870]  }
0xb0: {  	v1 =	vld [tilespmem:s29+$0xC800]  }
0xb1: {  	v3 =	vld [tilespmem:s29+$0xC810]  }
0xb2: {  	v12 =	vld [tilespmem:s29+$0xC820]  }
0xb3: {  	v10 =	vld [tilespmem:s29+$0xC830]  }
0xb4: {  	v7 =	vimm.f32 $0.0e+00;
	v2 =	vimm.f32 $0.0e+00;
	v5 =	vld [tilespmem:s29+$0xC840]  }
0xb5: {  	v6 =	vimm.f32 $0.0e+00;
	v8 =	vld [tilespmem:s29+$0xC850];
	v0 =	vadd.f32 v0, v2;
	v9 =	vadd.f32 v1, v2  }
0xb6: {  	s26 =	simm.s32 $0x80;
	s28 =	simm.s32 $0x400;
	v11 =	vld [tilespmem:s29+$0xC860];
	v4 =	vadd.f32 v3, v2;
	v3 =	vimm.f32 $0.0e+00;
	v1 =	vimm.f32 $0.0e+00  }
.LBB2_11:
0xb7: {  	p0 =	sne.s32 s28, $0x18E00;
	v13 =	vld [tilespmem:s26+$0xC870];
	v2 =	vadd.f32 v12, v2  }
0xb8: {  	v14 =	vld [tilespmem:s26+$0xC800];
	v6 =	vadd.f32 v10, v6  }
0xb9: {  	v15 =	vld [tilespmem:s26+$0xC810];
	v7 =	vadd.f32 v5, v7  }
.Ltmp4:
0xba: {  	v12 =	vld [tilespmem:s26+$0xC820];
	v3 =	vadd.f32 v8, v3;
	(pc) =	sbr.rel @p0 .LBB2_11-.Ltmp4, $4  }
0xbb: {  	v10 =	vld [tilespmem:s26+$0xC830];
	v1 =	vadd.f32 v11, v1  }
0xbc: {  	v5 =	vld [tilespmem:s26+$0xC840];
	v0 =	vadd.f32 v13, v0  }
0xbd: {  	v9 =	vadd.f32 v14, v9;
	v8 =	vld [tilespmem:s26+$0xC850]  }
0xbe: {  	v4 =	vadd.f32 v15, v4;
	v11 =	vld [tilespmem:s26+$0xC860];
	s26 =	sshra.s32 s28, $0x2;
	s28 =	sadd.s32 $0x200, s28  }
0xbf: {  	v14 =	vld [tilespmem:s26+$0xC800]  }
0xc0: {  	v15 =	vld [tilespmem:s26+$0xC810]  }
0xc1: {  	v16 =	vld [tilespmem:s26+$0xC820]  }
0xc2: {  	v17 =	vld [tilespmem:s26+$0xC830]  }
0xc3: {  	v18 =	vld [tilespmem:s26+$0xC840]  }
0xc4: {  	v2 =	vadd.f32 v12, v2;
	v60 =	vld [tilespmem:s26+$0xC850];
	s25 =	sshll.u32 s25, $0x7;
	v9 =	vadd.f32 v14, v9  }
0xc5: {  	v13 =	vld [tilespmem:s26+$0xC870];
	v6 =	vadd.f32 v10, v6;
	s25 =	sand.u32 $0x3FFFFF80, s25;
	v4 =	vadd.f32 v15, v4  }
0xc6: {  	v61 =	vld [tilespmem:s26+$0xC860];
	v5 =	vadd.f32 v5, v7;
	v2 =	vadd.f32 v16, v2;
	[tilespmem:s25+$0x12C00] =	vst v9  }
0xc7: {  	s24 =	sadd.s32 $0x1, s24;
	v3 =	vadd.f32 v8, v3;
	v6 =	vadd.f32 v17, v6;
	[tilespmem:s25+$0x12C10] =	vst v4  }
0xc8: {  	p0 =	sne.s32 s24, $0x40;
	v62 =	vadd.f32 v18, v5;
	[tilespmem:s25+$0x12C20] =	vst v2  }
.Ltmp5:
0xc9: {  	v1 =	vadd.f32 v11, v1;
	v63 =	vadd.f32 v60, v3;
	[tilespmem:s25+$0x12C30] =	vst v6;
	(pc) =	sbr.rel @p0 .LBB2_8-.Ltmp5, $4  }
0xca: {  	v0 =	vadd.f32 v13, v0;
	[tilespmem:s25+$0x12C40] =	vst v62  }
0xcb: {  	v1 =	vadd.f32 v61, v1;
	[tilespmem:s25+$0x12C50] =	vst v63  }
0xcc: {  	[tilespmem:s25+$0x12C70] =	vst v0  }
0xcd: {  	[tilespmem:s25+$0x12C60] =	vst v1  }
0xce: {  	_ =	swait.ge [sflag:s20], $0x3400  }
0xcf: {  	[sflag:s20] =	ssyncset.done $0x0  }
0xd0: {  	[sflag:s20] =	ssyncadd.s32 $0xFFFFCC00  }
0xd1: {  	_ =	swait.ge [sflag:s20], $0x3000  }
0xd2: {  	[sflag:s20] =	ssyncset.done $0x0  }
0xd3: {  	s24 =	simm.s32 $0x0;
	[sflag:s20] =	ssyncadd.s32 $0xFFFFD000  }
0xd4: {  	[hbm4b:s9+s24] =	stream.linear.scatter [tilespmem:s22], [sflag:$0x3], $0x4000, $0x38;
	[tilespmem:$0x16C00] =	vst v63  }
0xd5: {  	_ =	swait.ge [sflag:s13], $0x4000  }
0xd6: {  	[sflag:s13] =	ssyncset.done $0x0  }
0xd7: {  	[sflag:s13] =	ssyncadd.s32 $0xFFFFC000  }
0xd8: {  	[tilespmem:s24], [sflag:$0x3] =	stream.linear.gather [hbm4b:s10+s24], $0x6400, $0x38;
	[tilespmem:$0x16C00] =	vst v63  }
0xd9: {  	_ =	swait.ge [sflag:s13], $0x6400  }
0xda: {  	[sflag:s13] =	ssyncset.done $0x0  }
0xdb: {  	[sflag:s13] =	ssyncadd.s32 $0xFFFF9C00  }
0xdc: {  	[tilespmem:s15], [sflag:$0x1] =	stream.indirect.gather [hbm4b:s4+s14], $0x80, s24, s14, $0xb8;
	[tilespmem:$0x16C00] =	vst v63  }
0xdd: {  	_ = 	snop  }
0xde: {  	[tilespmem:s17], [sflag:$0x1] =	stream.indirect.gather [hbm4b:s4+s16], $0x80, s14, s16, $0xb8;
	[tilespmem:$0x16C00] =	vst v63  }
.LBB2_14:
0xdf: {  	s25 =	sshllo.u32 s24, $0x1  }
0xe0: {  	s26 =	smul.u32 $0x320, s25;
	_ =	sdelay $0x1  }
0xe1: {  	s26 =	sshra.s32 s26, $0x2  }
0xe2: {  	[tilespmem:s18], [sflag:$0x2] =	stream.indirect.gather [hbm4b:s4+s14], $0x80, s26, s14, $0xb8;
	[tilespmem:$0x16C00] =	vst v63  }
0xe3: {  	s26 =	sadd.s32 $0x68, s26  }
0xe4: {  	[tilespmem:s19], [sflag:$0x2] =	stream.indirect.gather [hbm4b:s4+s16], $0x80, s26, s16, $0xb8;
	[tilespmem:$0x16C00] =	vst v63  }
0xe5: {  	_ =	swait.ge [sflag:s20], $0x3400  }
0xe6: {  	[sflag:s20] =	ssyncset.done $0x0  }
0xe7: {  	[sflag:s20] =	ssyncadd.s32 $0xFFFFCC00  }
0xe8: {  	_ =	swait.ge [sflag:s20], $0x3000  }
0xe9: {  	[sflag:s20] =	ssyncset.done $0x0  }
0xea: {  	s29 =	simm.s32 $0x0;
	[sflag:s20] =	ssyncadd.s32 $0xFFFFD000  }
0xeb: {  	v0 =	vld [tilespmem:s29+$0x6470]  }
0xec: {  	v1 =	vld [tilespmem:s29+$0x6400]  }
0xed: {  	v3 =	vld [tilespmem:s29+$0x6410]  }
0xee: {  	v12 =	vld [tilespmem:s29+$0x6420]  }
0xef: {  	v10 =	vld [tilespmem:s29+$0x6430]  }
0xf0: {  	v2 =	vimm.f32 $0.0e+00;
	v6 =	vimm.f32 $0.0e+00;
	v5 =	vld [tilespmem:s29+$0x6440]  }
0xf1: {  	v7 =	vimm.f32 $0.0e+00;
	v8 =	vld [tilespmem:s29+$0x6450];
	v0 =	vadd.f32 v0, v2;
	v9 =	vadd.f32 v1, v2  }
0xf2: {  	s28 =	simm.s32 $0x400;
	s26 =	simm.s32 $0x80;
	v11 =	vld [tilespmem:s29+$0x6460];
	v4 =	vadd.f32 v3, v2;
	v3 =	vimm.f32 $0.0e+00;
	v1 =	vimm.f32 $0.0e+00  }
.LBB2_15:
0xf3: {  	p0 =	sne.s32 s28, $0x18E00;
	v13 =	vld [tilespmem:s26+$0x6470];
	v2 =	vadd.f32 v12, v2  }
0xf4: {  	v14 =	vld [tilespmem:s26+$0x6400];
	v6 =	vadd.f32 v10, v6  }
0xf5: {  	v15 =	vld [tilespmem:s26+$0x6410];
	v7 =	vadd.f32 v5, v7  }
.Ltmp6:
0xf6: {  	v12 =	vld [tilespmem:s26+$0x6420];
	v3 =	vadd.f32 v8, v3;
	(pc) =	sbr.rel @p0 .LBB2_15-.Ltmp6, $4  }
0xf7: {  	v10 =	vld [tilespmem:s26+$0x6430];
	v1 =	vadd.f32 v11, v1  }
0xf8: {  	v5 =	vld [tilespmem:s26+$0x6440];
	v0 =	vadd.f32 v13, v0  }
0xf9: {  	v9 =	vadd.f32 v14, v9;
	v8 =	vld [tilespmem:s26+$0x6450]  }
0xfa: {  	v4 =	vadd.f32 v15, v4;
	v11 =	vld [tilespmem:s26+$0x6460];
	s26 =	sshra.s32 s28, $0x2;
	s28 =	sadd.s32 $0x200, s28  }
0xfb: {  	v14 =	vld [tilespmem:s26+$0x6400]  }
0xfc: {  	v15 =	vld [tilespmem:s26+$0x6410]  }
0xfd: {  	v16 =	vld [tilespmem:s26+$0x6420]  }
0xfe: {  	v17 =	vld [tilespmem:s26+$0x6430]  }
0xff: {  	v13 =	vld [tilespmem:s26+$0x6470];
	v2 =	vadd.f32 v12, v2  }
0x100: {  	s28 =	sshll.u32 s24, $0x8;
	v6 =	vadd.f32 v10, v6;
	v10 =	vld [tilespmem:s26+$0x6460];
	v9 =	vadd.f32 v14, v9  }
0x101: {  	v18 =	vld [tilespmem:s26+$0x6440];
	s30 =	sand.u32 $0x3FFFFF00, s28;
	v4 =	vadd.f32 v15, v4  }
0x102: {  	v12 =	vld [tilespmem:s26+$0x6450];
	v2 =	vadd.f32 v16, v2;
	[tilespmem:s30+$0x12C00] =	vst v9  }
0x103: {  	v1 =	vadd.f32 v11, v1;
	v6 =	vadd.f32 v17, v6;
	[tilespmem:s30+$0x12C10] =	vst v4  }
0x104: {  	v5 =	vadd.f32 v5, v7;
	v0 =	vadd.f32 v13, v0;
	[tilespmem:s30+$0x12C20] =	vst v2  }
0x105: {  	v3 =	vadd.f32 v8, v3;
	v1 =	vadd.f32 v10, v1;
	[tilespmem:s30+$0x12C30] =	vst v6  }
0x106: {  	s28 =	smul.u32 $0x190, s24;
	v4 =	vadd.f32 v18, v5;
	[tilespmem:s30+$0x12C70] =	vst v0  }
0x107: {  	v2 =	vadd.f32 v12, v3;
	[tilespmem:s30+$0x12C60] =	vst v1  }
0x108: {  	p0 =	seq.s32 s24, $0x3F;
	s28 =	sadd.s32 $0x190, s28;
	[tilespmem:s30+$0x12C40] =	vst v4  }
0x109: {  	s28 =	simm.s32 @p0 $0x0;
	[tilespmem:s30+$0x12C50] =	vst v2  }
0x10a: {  	[tilespmem:s15], [sflag:$0x1] =	stream.indirect.gather [hbm4b:s4+s14], $0x80, s28, s14, $0xb8;
	[tilespmem:$0x16C00] =	vst v63  }
0x10b: {  	s31 =	sadd.s32 $0x68, s28  }
0x10c: {  	[tilespmem:s17], [sflag:$0x1] =	stream.indirect.gather [hbm4b:s4+s16], $0x80, s31, s16, $0xb8;
	[tilespmem:$0x16C00] =	vst v63  }
0x10d: {  	_ =	swait.ge [sflag:s21], $0x3400  }
0x10e: {  	[sflag:s21] =	ssyncset.done $0x0  }
0x10f: {  	[sflag:s21] =	ssyncadd.s32 $0xFFFFCC00  }
0x110: {  	_ =	swait.ge [sflag:s21], $0x3000  }
0x111: {  	[sflag:s21] =	ssyncset.done $0x0  }
0x112: {  	s29 =	simm.s32 $0x0;
	[sflag:s21] =	ssyncadd.s32 $0xFFFFD000  }
0x113: {  	v0 =	vld [tilespmem:s29+$0xC870]  }
0x114: {  	v1 =	vld [tilespmem:s29+$0xC800]  }
0x115: {  	v3 =	vld [tilespmem:s29+$0xC810]  }
0x116: {  	v12 =	vld [tilespmem:s29+$0xC820]  }
0x117: {  	v10 =	vld [tilespmem:s29+$0xC830]  }
0x118: {  	v7 =	vimm.f32 $0.0e+00;
	v2 =	vimm.f32 $0.0e+00;
	v5 =	vld [tilespmem:s29+$0xC840]  }
0x119: {  	v6 =	vimm.f32 $0.0e+00;
	v8 =	vld [tilespmem:s29+$0xC850];
	v0 =	vadd.f32 v0, v2;
	v9 =	vadd.f32 v1, v2  }
0x11a: {  	s26 =	simm.s32 $0x80;
	s28 =	simm.s32 $0x400;
	v11 =	vld [tilespmem:s29+$0xC860];
	v4 =	vadd.f32 v3, v2;
	v3 =	vimm.f32 $0.0e+00;
	v1 =	vimm.f32 $0.0e+00  }
.LBB2_17:
0x11b: {  	p0 =	sne.s32 s28, $0x18E00;
	v13 =	vld [tilespmem:s26+$0xC870];
	v2 =	vadd.f32 v12, v2  }
0x11c: {  	v14 =	vld [tilespmem:s26+$0xC800];
	v6 =	vadd.f32 v10, v6  }
0x11d: {  	v15 =	vld [tilespmem:s26+$0xC810];
	v7 =	vadd.f32 v5, v7  }
.Ltmp7:
0x11e: {  	v12 =	vld [tilespmem:s26+$0xC820];
	v3 =	vadd.f32 v8, v3;
	(pc) =	sbr.rel @p0 .LBB2_17-.Ltmp7, $4  }
0x11f: {  	v10 =	vld [tilespmem:s26+$0xC830];
	v1 =	vadd.f32 v11, v1  }
0x120: {  	v5 =	vld [tilespmem:s26+$0xC840];
	v0 =	vadd.f32 v13, v0  }
0x121: {  	v9 =	vadd.f32 v14, v9;
	v8 =	vld [tilespmem:s26+$0xC850]  }
0x122: {  	v4 =	vadd.f32 v15, v4;
	v11 =	vld [tilespmem:s26+$0xC860];
	s26 =	sshra.s32 s28, $0x2;
	s28 =	sadd.s32 $0x200, s28  }
0x123: {  	v14 =	vld [tilespmem:s26+$0xC800]  }
0x124: {  	v15 =	vld [tilespmem:s26+$0xC810]  }
0x125: {  	v16 =	vld [tilespmem:s26+$0xC820]  }
0x126: {  	v17 =	vld [tilespmem:s26+$0xC830]  }
0x127: {  	v18 =	vld [tilespmem:s26+$0xC840]  }
0x128: {  	v2 =	vadd.f32 v12, v2;
	v60 =	vld [tilespmem:s26+$0xC850];
	s25 =	sshll.u32 s25, $0x7;
	v9 =	vadd.f32 v14, v9  }
0x129: {  	v13 =	vld [tilespmem:s26+$0xC870];
	v6 =	vadd.f32 v10, v6;
	s25 =	sand.u32 $0x3FFFFF80, s25;
	v4 =	vadd.f32 v15, v4  }
0x12a: {  	v61 =	vld [tilespmem:s26+$0xC860];
	v5 =	vadd.f32 v5, v7;
	v2 =	vadd.f32 v16, v2;
	[tilespmem:s25+$0x12C00] =	vst v9  }
0x12b: {  	s24 =	sadd.s32 $0x1, s24;
	v3 =	vadd.f32 v8, v3;
	v6 =	vadd.f32 v17, v6;
	[tilespmem:s25+$0x12C10] =	vst v4  }
0x12c: {  	p0 =	sne.s32 s24, $0x40;
	v62 =	vadd.f32 v18, v5;
	[tilespmem:s25+$0x12C20] =	vst v2  }
.Ltmp8:
0x12d: {  	v1 =	vadd.f32 v11, v1;
	v63 =	vadd.f32 v60, v3;
	[tilespmem:s25+$0x12C30] =	vst v6;
	(pc) =	sbr.rel @p0 .LBB2_14-.Ltmp8, $4  }
0x12e: {  	v0 =	vadd.f32 v13, v0;
	[tilespmem:s25+$0x12C40] =	vst v62  }
0x12f: {  	v1 =	vadd.f32 v61, v1;
	[tilespmem:s25+$0x12C50] =	vst v63  }
0x130: {  	[tilespmem:s25+$0x12C70] =	vst v0  }
0x131: {  	[tilespmem:s25+$0x12C60] =	vst v1  }
0x132: {  	_ =	swait.ge [sflag:s20], $0x3400  }
0x133: {  	[sflag:s20] =	ssyncset.done $0x0  }
0x134: {  	[sflag:s20] =	ssyncadd.s32 $0xFFFFCC00  }
0x135: {  	s23 =	sadd.s32 $0x1, s23;
	_ =	swait.ge [sflag:s20], $0x3000  }
0x136: {  	p0 =	sne.s32 s23, s12;
	[sflag:s20] =	ssyncset.done $0x0  }
.Ltmp9:
0x137: {  	[sflag:s20] =	ssyncadd.s32 $0xFFFFD000;
	(pc) =	sbr.rel @p0 .LBB2_1-.Ltmp9, $4  }
0x138: {  	[hbm4b:s11+s5] =	stream.linear.scatter [tilespmem:s22], [sflag:$0x3], $0x4000, $0x38;
	[tilespmem:$0x16C00] =	vst v63  }
0x139: {  	_ =	swait.ge [sflag:s13], $0x4000  }
0x13a: {  	[sflag:s13] =	ssyncset.done $0x0  }
0x13b: {  	[sflag:s13] =	ssyncadd.s32 $0xFFFFC000  }
0x13c: {  	_ =	sfence.sel $0x180000  }
0x13d: {  	[bflag:$0x0] =	sbarrier.arrive $0xFFFF  }
0x13e: {  	p0 =	sne.s32 s0, $0x0;
	_ =	strace $0x90000047  }
0x13f: {  	s0 =	sadd.s32 @!p0 $0x100000, s2;
	[bflag:$0x2] =	sbarrier.arrive $0xFFFF  }
0x140: {  	[sflag:s0] =	ssyncadd.tile.s32 @!p0 $0x1;
	_ =	shalt  }
.Lfunc_end2:
_tile_overlayer_lowered:
.L_overlay_start_2:
0x141: {  	(tag) =	ssettag $0x2  }
0x142: {  	s0 =	rddreg [dreg:$0x0];
	s2 =	stileid.u32  }
0x143: {  	s1 =	rddreg [dreg:$0x1];
	p0 =	sne.s32 s2, $0x0  }
0x144: {  	s3 =	rddreg [dreg:$0x2];
	[bflag:$0x3] =	sbarrier.arrive $0xFFFF;
	s2 =	simm.s32 @!p0 $0x1C03  }
0x145: {  	[timem:s3], [sflag:s2] =	dma.local @!p0 [hbm:s0], s1  }
0x146: {  	s0 =	simm.s32 @!p0 $0x3  }
0x147: {  	_ =	swait.ge @!p0 [sflag:s0], s1  }
0x148: {  	s1 =	ssub.s32 @!p0 $0x0, s1;
	[sflag:s0] =	ssyncset.done @!p0 $0x0  }
0x149: {  	[sflag:s0] =	ssyncadd.s32 @!p0 s1  }
0x14a: {  	[bflag:$0x3] =	sbarrier.arrive $0xFFFF  }
0x14b: {  	_ =	shalt  }

</sc_bundles>
